<compile_context>
chip_gen: v7x
topology: tpu7x:2x2x1
jax: 0.10.2.dev20260603
libtpu: 0.0.44.dev20260713+nightly
codegen_flags: <defaults>
</compile_context>

<pallas_src>
import jax
import jax.numpy as jnp
from jax import lax
from jax.experimental import pallas as pl
from jax.experimental.pallas import tpu as pltpu
from jax.experimental.pallas import tpu_sc as plsc

B, F, D = 16384, 100, 1000000
NC, NS = 2, 16
NW = NC * NS
S = B // NW
K = F * S
LANES = 16
NCHK = 8
CS = S // NCHK
CE = CS * F
SB = CS // LANES
CE_H = 2048
CE_S = CE - CE_H


def _wide_body(idx_hbm, w_hbm, b_hbm, out_hbm, idx_v, vals_v, out_v, b_v,
               w_sh, isem0, isem1, hsem0, hsem1, ssem0, ssem1, wsem):
    c = lax.axis_index("c")
    s = lax.axis_index("s")
    wid = s * NC + c
    row = idx_hbm.at[wid]

    wcopy = pltpu.make_async_copy(w_hbm, w_sh, wsem)

    @pl.when(s == 0)
    def _():
        wcopy.start()

    isems = (isem0, isem1)
    hsems = (hsem0, hsem1)
    ssems = (ssem0, ssem1)

    def fire_idx(chunk):
        p = chunk % 2
        return pltpu.async_copy(row.at[pl.ds(chunk * CE, CE)],
                                idx_v.at[pl.ds(p * CE, CE)], isems[p])

    def fire_h(chunk):
        p = chunk % 2
        return pltpu.async_copy(
            w_hbm.at[idx_v.at[pl.ds(p * CE, CE_H)]],
            vals_v.at[pl.ds(p * CE, CE_H)], hsems[p])

    def fire_s(chunk):
        p = chunk % 2
        return pltpu.async_copy(
            w_sh.at[idx_v.at[pl.ds(p * CE + CE_H, CE_S)]],
            vals_v.at[pl.ds(p * CE + CE_H, CE_S)], ssems[p])

    lane_f = lax.iota(jnp.int32, LANES) * F

    def reduce_chunk(chunk):
        p = chunk % 2

        def body(f, carry):
            accs, idxvs = carry
            accs = tuple(accs[i] + plsc.load_gather(vals_v, [idxvs[i]])
                         for i in range(SB))
            idxvs = tuple(iv + 1 for iv in idxvs)
            return (accs, idxvs)

        init = (tuple(jnp.zeros((LANES,), jnp.float32) for _ in range(SB)),
                tuple(lane_f + (p * CS + i * LANES) * F for i in range(SB)))
        accs, _ = lax.fori_loop(0, F, body, init)
        bvec = b_v[...]
        for b_i in range(SB):
            z = accs[b_i] + bvec
            z = jnp.clip(z, -35.0, 35.0)
            y = 1.0 / (1.0 + jnp.exp(-z))
            out_v[pl.ds(chunk * CS + b_i * LANES, LANES)] = y

    pltpu.sync_copy(b_hbm, b_v)
    idx_pend = [fire_idx(0), fire_idx(1)]
    idx_pend[0].wait()
    gh0 = fire_h(0)

    @pl.when(s == 0)
    def _():
        wcopy.wait()
    plsc.subcore_barrier()

    g_pend = [None, None]
    g_pend[0] = (gh0, fire_s(0))
    for chunk in range(NCHK):
        p = chunk % 2
        if chunk + 1 < NCHK:
            idx_pend[(chunk + 1) % 2].wait()
            g_pend[(chunk + 1) % 2] = (fire_h(chunk + 1), fire_s(chunk + 1))
        for d in g_pend[p]:
            d.wait()
        if chunk + 2 < NCHK:
            idx_pend[p] = fire_idx(chunk + 2)
        reduce_chunk(chunk)

    pltpu.sync_copy(out_v, out_hbm.at[pl.ds(wid * S, S)])


@jax.jit
def _wide_forward(idx, w, b_arr):
    mesh = plsc.VectorSubcoreMesh(core_axis_name="c", subcore_axis_name="s")
    return pl.kernel(
        _wide_body,
        out_type=jax.ShapeDtypeStruct((B,), jnp.float32),
        mesh=mesh,
        scratch_types=[
            pltpu.VMEM((2 * CE,), jnp.int32),
            pltpu.VMEM((2 * CE,), jnp.float32),
            pltpu.VMEM((S,), jnp.float32),
            pltpu.VMEM((LANES,), jnp.float32),
            pltpu.VMEM_SHARED((D,), jnp.float32),
            pltpu.SemaphoreType.DMA,
            pltpu.SemaphoreType.DMA,
            pltpu.SemaphoreType.DMA,
            pltpu.SemaphoreType.DMA,
            pltpu.SemaphoreType.DMA,
            pltpu.SemaphoreType.DMA,
            pltpu.SemaphoreType.DMA,
        ],
        compiler_params=pltpu.CompilerParams(needs_layout_passes=False),
    )(idx, w, b_arr)


def kernel(X_w_indices, X_d, y_pred, y, w, b):
    idx = X_w_indices.astype(jnp.int32).reshape(NW, K)
    b_arr = jnp.broadcast_to(b.astype(jnp.float32), (LANES,))
    return _wide_forward(idx, w, b_arr)

# --- scband reference (transcript-rebuilt; emitter-appended) ---
"""Pipeline reference for scband-wide-deep-47880295416088 (READ-ONLY COPY).

The authoritative reference and input builder live on the scoring server;
editing this copy changes nothing except your own understanding.
"""

import jax, jax.numpy as jnp
import numpy as np

B, F, D = 16384, 100, 1000000

def setup_inputs(seed: int = 0) -> dict:
    key = jax.random.key(seed)
    k1, k2, k3, k4, k5 = jax.random.split(key, 5)
    X_w_indices = jax.random.randint(k1, (B, F), 0, D)
    X_d = jax.random.randint(k2, (B, 13), 0, 1000)
    y_pred = jnp.zeros((B,), dtype=jnp.float32)
    y = jax.random.uniform(k3, (B,), dtype=jnp.float32)
    # learned wide-side parameters (module keeps these as python lists; we
    # materialize them as arrays sized per init_kwargs D)
    w = jax.random.normal(k4, (D,), dtype=jnp.float32) * 0.01
    b = jax.random.normal(k5, (), dtype=jnp.float32) * 0.01
    return {"X_w_indices": X_w_indices, "X_d": X_d, "y_pred": y_pred, "y": y, "w": w, "b": b}

def reference(X_w_indices, X_d, y_pred, y, w, b):
    # Faithful translation of forward(..., training=False): for each sample j,
    # forward_wide gathers w at the hashed wide-feature indices, sums them with
    # the bias, clips to [-35, 35], and applies sigmoid to produce y_pred[j].
    # At inference start, q == decay_times[i] == 0 so the lazy L2-decay factor
    # (1 - L2_decay)**(q - decay_times[i]) == 1 for every touched weight.
    gathered = jnp.take(w, X_w_indices, axis=0)      # [B, F] gather into D-sized table
    wTx = jnp.sum(gathered, axis=1) + b              # [B]
    z_wide = jnp.clip(wTx, -35.0, 35.0)
    y_pred_out = jax.nn.sigmoid(z_wide)              # self.activation = torch.sigmoid
    return y_pred_out

if __name__ == "__main__":
    import jax
    _d = setup_inputs()
    print(jax.jit(kernel)(*tuple(_d.values())))

</pallas_src>

<mosaic_0001>
#map = affine_map<(d0, d1) -> (0, 0)>
#map1 = affine_map<(d0, d1) -> (0)>
module attributes {stable_mosaic.version = 14 : i64} {
  func.func @_wide_body(%arg0: i32, %arg1: i32, %arg2: memref<32x51200xi32, #tpu.memory_space<hbm>>, %arg3: memref<1000000xf32, #tpu.memory_space<hbm>>, %arg4: memref<16xf32, #tpu.memory_space<hbm>>, %arg5: memref<16384xf32, #tpu.memory_space<hbm>>, %arg6: memref<12800xi32, #tpu.memory_space<vmem>>, %arg7: memref<12800xf32, #tpu.memory_space<vmem>>, %arg8: memref<512xf32, #tpu.memory_space<vmem>>, %arg9: memref<16xf32, #tpu.memory_space<vmem>>, %arg10: memref<1000000xf32, #tpu.memory_space<vmem_shared>>, %arg11: memref<!tpu.dma_semaphore, #tpu.memory_space<semaphore_mem>>, %arg12: memref<!tpu.dma_semaphore, #tpu.memory_space<semaphore_mem>>, %arg13: memref<!tpu.dma_semaphore, #tpu.memory_space<semaphore_mem>>, %arg14: memref<!tpu.dma_semaphore, #tpu.memory_space<semaphore_mem>>, %arg15: memref<!tpu.dma_semaphore, #tpu.memory_space<semaphore_mem>>, %arg16: memref<!tpu.dma_semaphore, #tpu.memory_space<semaphore_mem>>, %arg17: memref<!tpu.dma_semaphore, #tpu.memory_space<semaphore_mem>>) attributes {dimension_semantics = [#tpu.dimension_semantics<core_parallel>, #tpu.dimension_semantics<subcore_parallel>], iteration_bounds = array<i64: 2, 16>, scalar_prefetch = 0 : i64, scratch_operands = 12 : i64, tpu.core_type = #tpu.core_type<sc_vector_subcore>, window_params = [{transform_indices = #map}, {transform_indices = #map1}, {transform_indices = #map1}, {transform_indices = #map1}]} {
    %mul3A = arith.constant 2 : i32
    %mul3A_0 = arith.muli %arg1, %mul3A : i32
    %add3A = arith.addi %mul3A_0, %arg0 : i32
    %eq3A = arith.constant 0 : i32
    %eq3A_1 = arith.cmpi eq, %arg1, %eq3A : i32
    %convert_element_type3A = arith.extui %eq3A_1 : i1 to i32
    %cond3A = arith.constant 0 : i32
    %cond3A_2 = arith.cmpi ne, %convert_element_type3A, %cond3A : i32
    scf.if %cond3A_2 {
      tpu.enqueue_dma source(%arg3 : memref<1000000xf32, #tpu.memory_space<hbm>>) target(%arg10 : memref<1000000xf32, #tpu.memory_space<vmem_shared>>) target_semaphore(%arg17 : memref<!tpu.dma_semaphore, #tpu.memory_space<semaphore_mem>>)
    } else {
    }
    %iota3A = tpu.iota {dimensions = array<i32: 0>} : vector<16xi32>
    %mul3A_3 = arith.constant 100 : i32
    %mul3A_4 = vector.broadcast %mul3A_3 : i32 to vector<16xi32>
    %mul3A_5 = arith.muli %iota3A, %mul3A_4 : vector<16xi32>
    "tpu.region"() ({
      %run_scoped3A = tpu.sem_alloc : memref<!tpu.dma_semaphore, #tpu.memory_space<semaphore_mem>>
      tpu.enqueue_dma source(%arg4 : memref<16xf32, #tpu.memory_space<hbm>>) target(%arg9 : memref<16xf32, #tpu.memory_space<vmem>>) target_semaphore(%run_scoped3A : memref<!tpu.dma_semaphore, #tpu.memory_space<semaphore_mem>>)
      tpu.wait_dma2 semaphore(%run_scoped3A : memref<!tpu.dma_semaphore, #tpu.memory_space<semaphore_mem>>) src(%arg4 : memref<16xf32, #tpu.memory_space<hbm>>) dst(%arg9 : memref<16xf32, #tpu.memory_space<vmem>>)
      tpu.yield
    }) : () -> ()
    %dma_start3A = arith.constant 0 : i32
    %dma_start3A_6 = tpu.memref_slice %arg6[%dma_start3A] : memref<12800xi32, #tpu.memory_space<vmem>> -> memref<6400xi32, #tpu.memory_space<vmem>>
    %dma_start3A_7 = arith.constant 0 : i32
    %dma_start3A_8 = tpu.memref_slice %arg2[%add3A, %dma_start3A_7] : memref<32x51200xi32, #tpu.memory_space<hbm>> -> memref<1x51200xi32, #tpu.memory_space<hbm>>
    %dma_start3A_9 = tpu.memref_squeeze %dma_start3A_8 : memref<1x51200xi32, #tpu.memory_space<hbm>> -> memref<51200xi32, #tpu.memory_space<hbm>>
    %dma_start3A_10 = arith.constant 0 : i32
    %dma_start3A_11 = tpu.memref_slice %dma_start3A_9[%dma_start3A_10] : memref<51200xi32, #tpu.memory_space<hbm>> -> memref<6400xi32, #tpu.memory_space<hbm>>
    %dma_start3A_12 = arith.constant 0 : i32
    %dma_start3A_13 = tpu.memref_slice %arg6[%dma_start3A_12] : memref<12800xi32, #tpu.memory_space<vmem>> -> memref<6400xi32, #tpu.memory_space<vmem>>
    %dma_start3A_14 = arith.constant 0 : i32
    %dma_start3A_15 = tpu.memref_slice %arg2[%add3A, %dma_start3A_14] : memref<32x51200xi32, #tpu.memory_space<hbm>> -> memref<1x51200xi32, #tpu.memory_space<hbm>>
    %dma_start3A_16 = tpu.memref_squeeze %dma_start3A_15 : memref<1x51200xi32, #tpu.memory_space<hbm>> -> memref<51200xi32, #tpu.memory_space<hbm>>
    %dma_start3A_17 = arith.constant 0 : i32
    %dma_start3A_18 = tpu.memref_slice %dma_start3A_16[%dma_start3A_17] : memref<51200xi32, #tpu.memory_space<hbm>> -> memref<6400xi32, #tpu.memory_space<hbm>>
    tpu.enqueue_dma source(%dma_start3A_18 : memref<6400xi32, #tpu.memory_space<hbm>>) target(%dma_start3A_13 : memref<6400xi32, #tpu.memory_space<vmem>>) target_semaphore(%arg11 : memref<!tpu.dma_semaphore, #tpu.memory_space<semaphore_mem>>)
    %dma_start3A_19 = arith.constant 6400 : i32
    %dma_start3A_20 = tpu.memref_slice %arg6[%dma_start3A_19] : memref<12800xi32, #tpu.memory_space<vmem>> -> memref<6400xi32, #tpu.memory_space<vmem>>
    %dma_start3A_21 = arith.constant 0 : i32
    %dma_start3A_22 = tpu.memref_slice %arg2[%add3A, %dma_start3A_21] : memref<32x51200xi32, #tpu.memory_space<hbm>> -> memref<1x51200xi32, #tpu.memory_space<hbm>>
    %dma_start3A_23 = tpu.memref_squeeze %dma_start3A_22 : memref<1x51200xi32, #tpu.memory_space<hbm>> -> memref<51200xi32, #tpu.memory_space<hbm>>
    %dma_start3A_24 = arith.constant 6400 : i32
    %dma_start3A_25 = tpu.memref_slice %dma_start3A_23[%dma_start3A_24] : memref<51200xi32, #tpu.memory_space<hbm>> -> memref<6400xi32, #tpu.memory_space<hbm>>
    %dma_start3A_26 = arith.constant 6400 : i32
    %dma_start3A_27 = tpu.memref_slice %arg6[%dma_start3A_26] : memref<12800xi32, #tpu.memory_space<vmem>> -> memref<6400xi32, #tpu.memory_space<vmem>>
    %dma_start3A_28 = arith.constant 0 : i32
    %dma_start3A_29 = tpu.memref_slice %arg2[%add3A, %dma_start3A_28] : memref<32x51200xi32, #tpu.memory_space<hbm>> -> memref<1x51200xi32, #tpu.memory_space<hbm>>
    %dma_start3A_30 = tpu.memref_squeeze %dma_start3A_29 : memref<1x51200xi32, #tpu.memory_space<hbm>> -> memref<51200xi32, #tpu.memory_space<hbm>>
    %dma_start3A_31 = arith.constant 6400 : i32
    %dma_start3A_32 = tpu.memref_slice %dma_start3A_30[%dma_start3A_31] : memref<51200xi32, #tpu.memory_space<hbm>> -> memref<6400xi32, #tpu.memory_space<hbm>>
    tpu.enqueue_dma source(%dma_start3A_32 : memref<6400xi32, #tpu.memory_space<hbm>>) target(%dma_start3A_27 : memref<6400xi32, #tpu.memory_space<vmem>>) target_semaphore(%arg12 : memref<!tpu.dma_semaphore, #tpu.memory_space<semaphore_mem>>)
    %dma_wait3A = arith.constant 0 : i32
    %dma_wait3A_33 = tpu.memref_slice %arg6[%dma_wait3A] : memref<12800xi32, #tpu.memory_space<vmem>> -> memref<6400xi32, #tpu.memory_space<vmem>>
    %dma_wait3A_34 = arith.constant 0 : i32
    %dma_wait3A_35 = tpu.memref_slice %arg2[%add3A, %dma_wait3A_34] : memref<32x51200xi32, #tpu.memory_space<hbm>> -> memref<1x51200xi32, #tpu.memory_space<hbm>>
    %dma_wait3A_36 = tpu.memref_squeeze %dma_wait3A_35 : memref<1x51200xi32, #tpu.memory_space<hbm>> -> memref<51200xi32, #tpu.memory_space<hbm>>
    %dma_wait3A_37 = arith.constant 0 : i32
    %dma_wait3A_38 = tpu.memref_slice %dma_wait3A_36[%dma_wait3A_37] : memref<51200xi32, #tpu.memory_space<hbm>> -> memref<6400xi32, #tpu.memory_space<hbm>>
    %dma_wait3A_39 = arith.constant 0 : i32
    %dma_wait3A_40 = tpu.memref_slice %arg6[%dma_wait3A_39] : memref<12800xi32, #tpu.memory_space<vmem>> -> memref<6400xi32, #tpu.memory_space<vmem>>
    %dma_wait3A_41 = arith.constant 0 : i32
    %dma_wait3A_42 = tpu.memref_slice %arg2[%add3A, %dma_wait3A_41] : memref<32x51200xi32, #tpu.memory_space<hbm>> -> memref<1x51200xi32, #tpu.memory_space<hbm>>
    %dma_wait3A_43 = tpu.memref_squeeze %dma_wait3A_42 : memref<1x51200xi32, #tpu.memory_space<hbm>> -> memref<51200xi32, #tpu.memory_space<hbm>>
    %dma_wait3A_44 = arith.constant 0 : i32
    %dma_wait3A_45 = tpu.memref_slice %dma_wait3A_43[%dma_wait3A_44] : memref<51200xi32, #tpu.memory_space<hbm>> -> memref<6400xi32, #tpu.memory_space<hbm>>
    tpu.wait_dma2 semaphore(%arg11 : memref<!tpu.dma_semaphore, #tpu.memory_space<semaphore_mem>>) src(%dma_wait3A_45 : memref<6400xi32, #tpu.memory_space<hbm>>) dst(%dma_wait3A_40 : memref<6400xi32, #tpu.memory_space<vmem>>)
    %dma_start3A_46 = arith.constant 0 : i32
    %dma_start3A_47 = tpu.memref_slice %arg7[%dma_start3A_46] : memref<12800xf32, #tpu.memory_space<vmem>> -> memref<2048xf32, #tpu.memory_space<vmem>>
    %dma_start3A_48 = arith.constant 0 : i32
    %dma_start3A_49 = tpu.memref_slice %arg6[%dma_start3A_48] : memref<12800xi32, #tpu.memory_space<vmem>> -> memref<2048xi32, #tpu.memory_space<vmem>>
    %dma_start3A_50 = arith.constant 0 : i32
    %dma_start3A_51 = tpu.memref_slice %arg3[%dma_start3A_50] : memref<1000000xf32, #tpu.memory_space<hbm>> -> memref<1000000xf32, #tpu.memory_space<hbm>>
    tpu.enqueue_indirect_dma source(%dma_start3A_51 : memref<1000000xf32, #tpu.memory_space<hbm>>) target(%dma_start3A_47 : memref<2048xf32, #tpu.memory_space<vmem>>) offsets(%dma_start3A_49 : memref<2048xi32, #tpu.memory_space<vmem>>) semaphore(%arg13 : memref<!tpu.dma_semaphore, #tpu.memory_space<semaphore_mem>>)
    %eq3A_52 = arith.constant 0 : i32
    %eq3A_53 = arith.cmpi eq, %arg1, %eq3A_52 : i32
    %convert_element_type3A_54 = arith.extui %eq3A_53 : i1 to i32
    %cond3A_55 = arith.constant 0 : i32
    %cond3A_56 = arith.cmpi ne, %convert_element_type3A_54, %cond3A_55 : i32
    scf.if %cond3A_56 {
      tpu.wait_dma2 semaphore(%arg17 : memref<!tpu.dma_semaphore, #tpu.memory_space<semaphore_mem>>) src(%arg3 : memref<1000000xf32, #tpu.memory_space<hbm>>) dst(%arg10 : memref<1000000xf32, #tpu.memory_space<vmem_shared>>)
    } else {
    }
    %barrier3A = arith.constant 0 : index
    tpu.barrier barrier_id(%barrier3A)
    %dma_start3A_57 = arith.constant 2048 : i32
    %dma_start3A_58 = tpu.memref_slice %arg7[%dma_start3A_57] : memref<12800xf32, #tpu.memory_space<vmem>> -> memref<4352xf32, #tpu.memory_space<vmem>>
    %dma_start3A_59 = arith.constant 2048 : i32
    %dma_start3A_60 = tpu.memref_slice %arg6[%dma_start3A_59] : memref<12800xi32, #tpu.memory_space<vmem>> -> memref<4352xi32, #tpu.memory_space<vmem>>
    %dma_start3A_61 = arith.constant 0 : i32
    %dma_start3A_62 = tpu.memref_slice %arg10[%dma_start3A_61] : memref<1000000xf32, #tpu.memory_space<vmem_shared>> -> memref<1000000xf32, #tpu.memory_space<vmem_shared>>
    tpu.enqueue_indirect_dma source(%dma_start3A_62 : memref<1000000xf32, #tpu.memory_space<vmem_shared>>) target(%dma_start3A_58 : memref<4352xf32, #tpu.memory_space<vmem>>) offsets(%dma_start3A_60 : memref<4352xi32, #tpu.memory_space<vmem>>) semaphore(%arg15 : memref<!tpu.dma_semaphore, #tpu.memory_space<semaphore_mem>>)
    %dma_wait3A_63 = arith.constant 6400 : i32
    %dma_wait3A_64 = tpu.memref_slice %arg6[%dma_wait3A_63] : memref<12800xi32, #tpu.memory_space<vmem>> -> memref<6400xi32, #tpu.memory_space<vmem>>
    %dma_wait3A_65 = arith.constant 0 : i32
    %dma_wait3A_66 = tpu.memref_slice %arg2[%add3A, %dma_wait3A_65] : memref<32x51200xi32, #tpu.memory_space<hbm>> -> memref<1x51200xi32, #tpu.memory_space<hbm>>
    %dma_wait3A_67 = tpu.memref_squeeze %dma_wait3A_66 : memref<1x51200xi32, #tpu.memory_space<hbm>> -> memref<51200xi32, #tpu.memory_space<hbm>>
    %dma_wait3A_68 = arith.constant 6400 : i32
    %dma_wait3A_69 = tpu.memref_slice %dma_wait3A_67[%dma_wait3A_68] : memref<51200xi32, #tpu.memory_space<hbm>> -> memref<6400xi32, #tpu.memory_space<hbm>>
    %dma_wait3A_70 = arith.constant 6400 : i32
    %dma_wait3A_71 = tpu.memref_slice %arg6[%dma_wait3A_70] : memref<12800xi32, #tpu.memory_space<vmem>> -> memref<6400xi32, #tpu.memory_space<vmem>>
    %dma_wait3A_72 = arith.constant 0 : i32
    %dma_wait3A_73 = tpu.memref_slice %arg2[%add3A, %dma_wait3A_72] : memref<32x51200xi32, #tpu.memory_space<hbm>> -> memref<1x51200xi32, #tpu.memory_space<hbm>>
    %dma_wait3A_74 = tpu.memref_squeeze %dma_wait3A_73 : memref<1x51200xi32, #tpu.memory_space<hbm>> -> memref<51200xi32, #tpu.memory_space<hbm>>
    %dma_wait3A_75 = arith.constant 6400 : i32
    %dma_wait3A_76 = tpu.memref_slice %dma_wait3A_74[%dma_wait3A_75] : memref<51200xi32, #tpu.memory_space<hbm>> -> memref<6400xi32, #tpu.memory_space<hbm>>
    tpu.wait_dma2 semaphore(%arg12 : memref<!tpu.dma_semaphore, #tpu.memory_space<semaphore_mem>>) src(%dma_wait3A_76 : memref<6400xi32, #tpu.memory_space<hbm>>) dst(%dma_wait3A_71 : memref<6400xi32, #tpu.memory_space<vmem>>)
    %dma_start3A_77 = arith.constant 6400 : i32
    %dma_start3A_78 = tpu.memref_slice %arg7[%dma_start3A_77] : memref<12800xf32, #tpu.memory_space<vmem>> -> memref<2048xf32, #tpu.memory_space<vmem>>
    %dma_start3A_79 = arith.constant 6400 : i32
    %dma_start3A_80 = tpu.memref_slice %arg6[%dma_start3A_79] : memref<12800xi32, #tpu.memory_space<vmem>> -> memref<2048xi32, #tpu.memory_space<vmem>>
    %dma_start3A_81 = arith.constant 0 : i32
    %dma_start3A_82 = tpu.memref_slice %arg3[%dma_start3A_81] : memref<1000000xf32, #tpu.memory_space<hbm>> -> memref<1000000xf32, #tpu.memory_space<hbm>>
    tpu.enqueue_indirect_dma source(%dma_start3A_82 : memref<1000000xf32, #tpu.memory_space<hbm>>) target(%dma_start3A_78 : memref<2048xf32, #tpu.memory_space<vmem>>) offsets(%dma_start3A_80 : memref<2048xi32, #tpu.memory_space<vmem>>) semaphore(%arg14 : memref<!tpu.dma_semaphore, #tpu.memory_space<semaphore_mem>>)
    %dma_start3A_83 = arith.constant 8448 : i32
    %dma_start3A_84 = tpu.memref_slice %arg7[%dma_start3A_83] : memref<12800xf32, #tpu.memory_space<vmem>> -> memref<4352xf32, #tpu.memory_space<vmem>>
    %dma_start3A_85 = arith.constant 8448 : i32
    %dma_start3A_86 = tpu.memref_slice %arg6[%dma_start3A_85] : memref<12800xi32, #tpu.memory_space<vmem>> -> memref<4352xi32, #tpu.memory_space<vmem>>
    %dma_start3A_87 = arith.constant 0 : i32
    %dma_start3A_88 = tpu.memref_slice %arg10[%dma_start3A_87] : memref<1000000xf32, #tpu.memory_space<vmem_shared>> -> memref<1000000xf32, #tpu.memory_space<vmem_shared>>
    tpu.enqueue_indirect_dma source(%dma_start3A_88 : memref<1000000xf32, #tpu.memory_space<vmem_shared>>) target(%dma_start3A_84 : memref<4352xf32, #tpu.memory_space<vmem>>) offsets(%dma_start3A_86 : memref<4352xi32, #tpu.memory_space<vmem>>) semaphore(%arg16 : memref<!tpu.dma_semaphore, #tpu.memory_space<semaphore_mem>>)
    %dma_wait3A_89 = arith.constant 0 : i32
    %dma_wait3A_90 = tpu.memref_slice %arg7[%dma_wait3A_89] : memref<12800xf32, #tpu.memory_space<vmem>> -> memref<2048xf32, #tpu.memory_space<vmem>>
    %dma_wait3A_91 = arith.constant 0 : i32
    %dma_wait3A_92 = tpu.memref_slice %arg6[%dma_wait3A_91] : memref<12800xi32, #tpu.memory_space<vmem>> -> memref<2048xi32, #tpu.memory_space<vmem>>
    %dma_wait3A_93 = arith.constant 0 : i32
    %dma_wait3A_94 = tpu.memref_slice %arg3[%dma_wait3A_93] : memref<1000000xf32, #tpu.memory_space<hbm>> -> memref<1000000xf32, #tpu.memory_space<hbm>>
    tpu.wait_indirect_dma semaphore(%arg13 : memref<!tpu.dma_semaphore, #tpu.memory_space<semaphore_mem>>) src(%dma_wait3A_94 : memref<1000000xf32, #tpu.memory_space<hbm>>) dst(%dma_wait3A_90 : memref<2048xf32, #tpu.memory_space<vmem>>)
    %dma_wait3A_95 = arith.constant 2048 : i32
    %dma_wait3A_96 = tpu.memref_slice %arg7[%dma_wait3A_95] : memref<12800xf32, #tpu.memory_space<vmem>> -> memref<4352xf32, #tpu.memory_space<vmem>>
    %dma_wait3A_97 = arith.constant 2048 : i32
    %dma_wait3A_98 = tpu.memref_slice %arg6[%dma_wait3A_97] : memref<12800xi32, #tpu.memory_space<vmem>> -> memref<4352xi32, #tpu.memory_space<vmem>>
    %dma_wait3A_99 = arith.constant 0 : i32
    %dma_wait3A_100 = tpu.memref_slice %arg10[%dma_wait3A_99] : memref<1000000xf32, #tpu.memory_space<vmem_shared>> -> memref<1000000xf32, #tpu.memory_space<vmem_shared>>
    tpu.wait_indirect_dma semaphore(%arg15 : memref<!tpu.dma_semaphore, #tpu.memory_space<semaphore_mem>>) src(%dma_wait3A_100 : memref<1000000xf32, #tpu.memory_space<vmem_shared>>) dst(%dma_wait3A_96 : memref<4352xf32, #tpu.memory_space<vmem>>)
    %dma_start3A_101 = arith.constant 0 : i32
    %dma_start3A_102 = tpu.memref_slice %arg6[%dma_start3A_101] : memref<12800xi32, #tpu.memory_space<vmem>> -> memref<6400xi32, #tpu.memory_space<vmem>>
    %dma_start3A_103 = arith.constant 0 : i32
    %dma_start3A_104 = tpu.memref_slice %arg2[%add3A, %dma_start3A_103] : memref<32x51200xi32, #tpu.memory_space<hbm>> -> memref<1x51200xi32, #tpu.memory_space<hbm>>
    %dma_start3A_105 = tpu.memref_squeeze %dma_start3A_104 : memref<1x51200xi32, #tpu.memory_space<hbm>> -> memref<51200xi32, #tpu.memory_space<hbm>>
    %dma_start3A_106 = arith.constant 12800 : i32
    %dma_start3A_107 = tpu.memref_slice %dma_start3A_105[%dma_start3A_106] : memref<51200xi32, #tpu.memory_space<hbm>> -> memref<6400xi32, #tpu.memory_space<hbm>>
    %dma_start3A_108 = arith.constant 0 : i32
    %dma_start3A_109 = tpu.memref_slice %arg6[%dma_start3A_108] : memref<12800xi32, #tpu.memory_space<vmem>> -> memref<6400xi32, #tpu.memory_space<vmem>>
    %dma_start3A_110 = arith.constant 0 : i32
    %dma_start3A_111 = tpu.memref_slice %arg2[%add3A, %dma_start3A_110] : memref<32x51200xi32, #tpu.memory_space<hbm>> -> memref<1x51200xi32, #tpu.memory_space<hbm>>
    %dma_start3A_112 = tpu.memref_squeeze %dma_start3A_111 : memref<1x51200xi32, #tpu.memory_space<hbm>> -> memref<51200xi32, #tpu.memory_space<hbm>>
    %dma_start3A_113 = arith.constant 12800 : i32
    %dma_start3A_114 = tpu.memref_slice %dma_start3A_112[%dma_start3A_113] : memref<51200xi32, #tpu.memory_space<hbm>> -> memref<6400xi32, #tpu.memory_space<hbm>>
    tpu.enqueue_dma source(%dma_start3A_114 : memref<6400xi32, #tpu.memory_space<hbm>>) target(%dma_start3A_109 : memref<6400xi32, #tpu.memory_space<vmem>>) target_semaphore(%arg11 : memref<!tpu.dma_semaphore, #tpu.memory_space<semaphore_mem>>)
    %broadcast_in_dim3A = arith.constant 0.000000e+00 : f32
    %broadcast_in_dim3A_115 = vector.broadcast %broadcast_in_dim3A : f32 to vector<16xf32>
    %broadcast_in_dim3A_116 = arith.constant 0.000000e+00 : f32
    %broadcast_in_dim3A_117 = vector.broadcast %broadcast_in_dim3A_116 : f32 to vector<16xf32>
    %broadcast_in_dim3A_118 = arith.constant 0.000000e+00 : f32
    %broadcast_in_dim3A_119 = vector.broadcast %broadcast_in_dim3A_118 : f32 to vector<16xf32>
    %broadcast_in_dim3A_120 = arith.constant 0.000000e+00 : f32
    %broadcast_in_dim3A_121 = vector.broadcast %broadcast_in_dim3A_120 : f32 to vector<16xf32>
    %add3A_122 = arith.constant 0 : i32
    %add3A_123 = vector.broadcast %add3A_122 : i32 to vector<16xi32>
    %add3A_124 = arith.addi %mul3A_5, %add3A_123 : vector<16xi32>
    %add3A_125 = arith.constant 1600 : i32
    %add3A_126 = vector.broadcast %add3A_125 : i32 to vector<16xi32>
    %add3A_127 = arith.addi %mul3A_5, %add3A_126 : vector<16xi32>
    %add3A_128 = arith.constant 3200 : i32
    %add3A_129 = vector.broadcast %add3A_128 : i32 to vector<16xi32>
    %add3A_130 = arith.addi %mul3A_5, %add3A_129 : vector<16xi32>
    %add3A_131 = arith.constant 4800 : i32
    %add3A_132 = vector.broadcast %add3A_131 : i32 to vector<16xi32>
    %add3A_133 = arith.addi %mul3A_5, %add3A_132 : vector<16xi32>
    %scan3A = arith.constant 0 : i32
    %scan3A_134 = arith.constant 100 : i32
    %scan3A_135 = arith.addi %scan3A, %scan3A_134 : i32
    %scan3A_136 = arith.constant 1 : i32
    %scan3A_137:8 = scf.for %scan3A_1249 = %scan3A to %scan3A_135 step %scan3A_136 iter_args(%scan3A_1250 = %broadcast_in_dim3A_115, %scan3A_1251 = %broadcast_in_dim3A_117, %scan3A_1252 = %broadcast_in_dim3A_119, %scan3A_1253 = %broadcast_in_dim3A_121, %scan3A_1254 = %add3A_124, %scan3A_1255 = %add3A_127, %scan3A_1256 = %add3A_130, %scan3A_1257 = %add3A_133) -> (vector<16xf32>, vector<16xf32>, vector<16xf32>, vector<16xf32>, vector<16xi32>, vector<16xi32>, vector<16xi32>, vector<16xi32>)  : i32 {
      %gather3A = tpu.vector_load_idx %arg7[%scan3A_1254] : memref<12800xf32, #tpu.memory_space<vmem>>[vector<16xi32>], vector<16xf32>,
      %add3A_1258 = arith.addf %scan3A_1250, %gather3A : vector<16xf32>
      %gather3A_1259 = tpu.vector_load_idx %arg7[%scan3A_1255] : memref<12800xf32, #tpu.memory_space<vmem>>[vector<16xi32>], vector<16xf32>,
      %add3A_1260 = arith.addf %scan3A_1251, %gather3A_1259 : vector<16xf32>
      %gather3A_1261 = tpu.vector_load_idx %arg7[%scan3A_1256] : memref<12800xf32, #tpu.memory_space<vmem>>[vector<16xi32>], vector<16xf32>,
      %add3A_1262 = arith.addf %scan3A_1252, %gather3A_1261 : vector<16xf32>
      %gather3A_1263 = tpu.vector_load_idx %arg7[%scan3A_1257] : memref<12800xf32, #tpu.memory_space<vmem>>[vector<16xi32>], vector<16xf32>,
      %add3A_1264 = arith.addf %scan3A_1253, %gather3A_1263 : vector<16xf32>
      %add3A_1265 = arith.constant 1 : i32
      %add3A_1266 = vector.broadcast %add3A_1265 : i32 to vector<16xi32>
      %add3A_1267 = arith.addi %scan3A_1254, %add3A_1266 : vector<16xi32>
      %add3A_1268 = arith.constant 1 : i32
      %add3A_1269 = vector.broadcast %add3A_1268 : i32 to vector<16xi32>
      %add3A_1270 = arith.addi %scan3A_1255, %add3A_1269 : vector<16xi32>
      %add3A_1271 = arith.constant 1 : i32
      %add3A_1272 = vector.broadcast %add3A_1271 : i32 to vector<16xi32>
      %add3A_1273 = arith.addi %scan3A_1256, %add3A_1272 : vector<16xi32>
      %add3A_1274 = arith.constant 1 : i32
      %add3A_1275 = vector.broadcast %add3A_1274 : i32 to vector<16xi32>
      %add3A_1276 = arith.addi %scan3A_1257, %add3A_1275 : vector<16xi32>
      scf.yield %add3A_1258, %add3A_1260, %add3A_1262, %add3A_1264, %add3A_1267, %add3A_1270, %add3A_1273, %add3A_1276 : vector<16xf32>, vector<16xf32>, vector<16xf32>, vector<16xf32>, vector<16xi32>, vector<16xi32>, vector<16xi32>, vector<16xi32>
    }
    %scan3A_138 = arith.constant 100 : i32
    %get3A = arith.constant 0 : index
    %get3A_139 = tpu.vector_load %arg9[%get3A] {strides = array<i32>} : memref<16xf32, #tpu.memory_space<vmem>>, vector<16xf32>,
    %add3A_140 = arith.addf %scan3A_137#0, %get3A_139 : vector<16xf32>
    %jit3A = arith.constant -3.500000e+01 : f32
    %jit3A_141 = arith.constant 3.500000e+01 : f32
    %max3A = vector.broadcast %jit3A : f32 to vector<16xf32>
    %max3A_142 = arith.maximumf %max3A, %add3A_140 : vector<16xf32>
    %min3A = vector.broadcast %jit3A_141 : f32 to vector<16xf32>
    %min3A_143 = arith.minimumf %min3A, %max3A_142 : vector<16xf32>
    %neg3A = arith.constant 0.000000e+00 : f32
    %neg3A_144 = vector.broadcast %neg3A : f32 to vector<16xf32>
    %neg3A_145 = arith.subf %neg3A_144, %min3A_143 : vector<16xf32>
    %exp3A = math.exp %neg3A_145 : vector<16xf32>
    %add3A_146 = arith.constant 1.000000e+00 : f32
    %add3A_147 = vector.broadcast %add3A_146 : f32 to vector<16xf32>
    %add3A_148 = arith.addf %add3A_147, %exp3A : vector<16xf32>
    %div3A = arith.constant 1.000000e+00 : f32
    %div3A_149 = vector.broadcast %div3A : f32 to vector<16xf32>
    %div3A_150 = arith.divf %div3A_149, %add3A_148 : vector<16xf32>
    %swap3A = arith.constant 0 : index
    %swap3A_151 = tpu.vector_load %arg8[%swap3A] {strides = array<i32>} : memref<512xf32, #tpu.memory_space<vmem>>, vector<16xf32>,
    tpu.vector_store %arg8[%swap3A], %div3A_150 {strides = array<i32>} : memref<512xf32, #tpu.memory_space<vmem>>, vector<16xf32>,
    %add3A_152 = arith.addf %scan3A_137#1, %get3A_139 : vector<16xf32>
    %jit3A_153 = arith.constant -3.500000e+01 : f32
    %jit3A_154 = arith.constant 3.500000e+01 : f32
    %max3A_155 = vector.broadcast %jit3A_153 : f32 to vector<16xf32>
    %max3A_156 = arith.maximumf %max3A_155, %add3A_152 : vector<16xf32>
    %min3A_157 = vector.broadcast %jit3A_154 : f32 to vector<16xf32>
    %min3A_158 = arith.minimumf %min3A_157, %max3A_156 : vector<16xf32>
    %neg3A_159 = arith.constant 0.000000e+00 : f32
    %neg3A_160 = vector.broadcast %neg3A_159 : f32 to vector<16xf32>
    %neg3A_161 = arith.subf %neg3A_160, %min3A_158 : vector<16xf32>
    %exp3A_162 = math.exp %neg3A_161 : vector<16xf32>
    %add3A_163 = arith.constant 1.000000e+00 : f32
    %add3A_164 = vector.broadcast %add3A_163 : f32 to vector<16xf32>
    %add3A_165 = arith.addf %add3A_164, %exp3A_162 : vector<16xf32>
    %div3A_166 = arith.constant 1.000000e+00 : f32
    %div3A_167 = vector.broadcast %div3A_166 : f32 to vector<16xf32>
    %div3A_168 = arith.divf %div3A_167, %add3A_165 : vector<16xf32>
    %swap3A_169 = arith.constant 16 : index
    %swap3A_170 = tpu.vector_load %arg8[%swap3A_169] {strides = array<i32>} : memref<512xf32, #tpu.memory_space<vmem>>, vector<16xf32>,
    tpu.vector_store %arg8[%swap3A_169], %div3A_168 {strides = array<i32>} : memref<512xf32, #tpu.memory_space<vmem>>, vector<16xf32>,
    %add3A_171 = arith.addf %scan3A_137#2, %get3A_139 : vector<16xf32>
    %jit3A_172 = arith.constant -3.500000e+01 : f32
    %jit3A_173 = arith.constant 3.500000e+01 : f32
    %max3A_174 = vector.broadcast %jit3A_172 : f32 to vector<16xf32>
    %max3A_175 = arith.maximumf %max3A_174, %add3A_171 : vector<16xf32>
    %min3A_176 = vector.broadcast %jit3A_173 : f32 to vector<16xf32>
    %min3A_177 = arith.minimumf %min3A_176, %max3A_175 : vector<16xf32>
    %neg3A_178 = arith.constant 0.000000e+00 : f32
    %neg3A_179 = vector.broadcast %neg3A_178 : f32 to vector<16xf32>
    %neg3A_180 = arith.subf %neg3A_179, %min3A_177 : vector<16xf32>
    %exp3A_181 = math.exp %neg3A_180 : vector<16xf32>
    %add3A_182 = arith.constant 1.000000e+00 : f32
    %add3A_183 = vector.broadcast %add3A_182 : f32 to vector<16xf32>
    %add3A_184 = arith.addf %add3A_183, %exp3A_181 : vector<16xf32>
    %div3A_185 = arith.constant 1.000000e+00 : f32
    %div3A_186 = vector.broadcast %div3A_185 : f32 to vector<16xf32>
    %div3A_187 = arith.divf %div3A_186, %add3A_184 : vector<16xf32>
    %swap3A_188 = arith.constant 32 : index
    %swap3A_189 = tpu.vector_load %arg8[%swap3A_188] {strides = array<i32>} : memref<512xf32, #tpu.memory_space<vmem>>, vector<16xf32>,
    tpu.vector_store %arg8[%swap3A_188], %div3A_187 {strides = array<i32>} : memref<512xf32, #tpu.memory_space<vmem>>, vector<16xf32>,
    %add3A_190 = arith.addf %scan3A_137#3, %get3A_139 : vector<16xf32>
    %jit3A_191 = arith.constant -3.500000e+01 : f32
    %jit3A_192 = arith.constant 3.500000e+01 : f32
    %max3A_193 = vector.broadcast %jit3A_191 : f32 to vector<16xf32>
    %max3A_194 = arith.maximumf %max3A_193, %add3A_190 : vector<16xf32>
    %min3A_195 = vector.broadcast %jit3A_192 : f32 to vector<16xf32>
    %min3A_196 = arith.minimumf %min3A_195, %max3A_194 : vector<16xf32>
    %neg3A_197 = arith.constant 0.000000e+00 : f32
    %neg3A_198 = vector.broadcast %neg3A_197 : f32 to vector<16xf32>
    %neg3A_199 = arith.subf %neg3A_198, %min3A_196 : vector<16xf32>
    %exp3A_200 = math.exp %neg3A_199 : vector<16xf32>
    %add3A_201 = arith.constant 1.000000e+00 : f32
    %add3A_202 = vector.broadcast %add3A_201 : f32 to vector<16xf32>
    %add3A_203 = arith.addf %add3A_202, %exp3A_200 : vector<16xf32>
    %div3A_204 = arith.constant 1.000000e+00 : f32
    %div3A_205 = vector.broadcast %div3A_204 : f32 to vector<16xf32>
    %div3A_206 = arith.divf %div3A_205, %add3A_203 : vector<16xf32>
    %swap3A_207 = arith.constant 48 : index
    %swap3A_208 = tpu.vector_load %arg8[%swap3A_207] {strides = array<i32>} : memref<512xf32, #tpu.memory_space<vmem>>, vector<16xf32>,
    tpu.vector_store %arg8[%swap3A_207], %div3A_206 {strides = array<i32>} : memref<512xf32, #tpu.memory_space<vmem>>, vector<16xf32>,
    %dma_wait3A_209 = arith.constant 0 : i32
    %dma_wait3A_210 = tpu.memref_slice %arg6[%dma_wait3A_209] : memref<12800xi32, #tpu.memory_space<vmem>> -> memref<6400xi32, #tpu.memory_space<vmem>>
    %dma_wait3A_211 = arith.constant 0 : i32
    %dma_wait3A_212 = tpu.memref_slice %arg2[%add3A, %dma_wait3A_211] : memref<32x51200xi32, #tpu.memory_space<hbm>> -> memref<1x51200xi32, #tpu.memory_space<hbm>>
    %dma_wait3A_213 = tpu.memref_squeeze %dma_wait3A_212 : memref<1x51200xi32, #tpu.memory_space<hbm>> -> memref<51200xi32, #tpu.memory_space<hbm>>
    %dma_wait3A_214 = arith.constant 12800 : i32
    %dma_wait3A_215 = tpu.memref_slice %dma_wait3A_213[%dma_wait3A_214] : memref<51200xi32, #tpu.memory_space<hbm>> -> memref<6400xi32, #tpu.memory_space<hbm>>
    %dma_wait3A_216 = arith.constant 0 : i32
    %dma_wait3A_217 = tpu.memref_slice %arg6[%dma_wait3A_216] : memref<12800xi32, #tpu.memory_space<vmem>> -> memref<6400xi32, #tpu.memory_space<vmem>>
    %dma_wait3A_218 = arith.constant 0 : i32
    %dma_wait3A_219 = tpu.memref_slice %arg2[%add3A, %dma_wait3A_218] : memref<32x51200xi32, #tpu.memory_space<hbm>> -> memref<1x51200xi32, #tpu.memory_space<hbm>>
    %dma_wait3A_220 = tpu.memref_squeeze %dma_wait3A_219 : memref<1x51200xi32, #tpu.memory_space<hbm>> -> memref<51200xi32, #tpu.memory_space<hbm>>
    %dma_wait3A_221 = arith.constant 12800 : i32
    %dma_wait3A_222 = tpu.memref_slice %dma_wait3A_220[%dma_wait3A_221] : memref<51200xi32, #tpu.memory_space<hbm>> -> memref<6400xi32, #tpu.memory_space<hbm>>
    tpu.wait_dma2 semaphore(%arg11 : memref<!tpu.dma_semaphore, #tpu.memory_space<semaphore_mem>>) src(%dma_wait3A_222 : memref<6400xi32, #tpu.memory_space<hbm>>) dst(%dma_wait3A_217 : memref<6400xi32, #tpu.memory_space<vmem>>)
    %dma_start3A_223 = arith.constant 0 : i32
    %dma_start3A_224 = tpu.memref_slice %arg7[%dma_start3A_223] : memref<12800xf32, #tpu.memory_space<vmem>> -> memref<2048xf32, #tpu.memory_space<vmem>>
    %dma_start3A_225 = arith.constant 0 : i32
    %dma_start3A_226 = tpu.memref_slice %arg6[%dma_start3A_225] : memref<12800xi32, #tpu.memory_space<vmem>> -> memref<2048xi32, #tpu.memory_space<vmem>>
    %dma_start3A_227 = arith.constant 0 : i32
    %dma_start3A_228 = tpu.memref_slice %arg3[%dma_start3A_227] : memref<1000000xf32, #tpu.memory_space<hbm>> -> memref<1000000xf32, #tpu.memory_space<hbm>>
    tpu.enqueue_indirect_dma source(%dma_start3A_228 : memref<1000000xf32, #tpu.memory_space<hbm>>) target(%dma_start3A_224 : memref<2048xf32, #tpu.memory_space<vmem>>) offsets(%dma_start3A_226 : memref<2048xi32, #tpu.memory_space<vmem>>) semaphore(%arg13 : memref<!tpu.dma_semaphore, #tpu.memory_space<semaphore_mem>>)
    %dma_start3A_229 = arith.constant 2048 : i32
    %dma_start3A_230 = tpu.memref_slice %arg7[%dma_start3A_229] : memref<12800xf32, #tpu.memory_space<vmem>> -> memref<4352xf32, #tpu.memory_space<vmem>>
    %dma_start3A_231 = arith.constant 2048 : i32
    %dma_start3A_232 = tpu.memref_slice %arg6[%dma_start3A_231] : memref<12800xi32, #tpu.memory_space<vmem>> -> memref<4352xi32, #tpu.memory_space<vmem>>
    %dma_start3A_233 = arith.constant 0 : i32
    %dma_start3A_234 = tpu.memref_slice %arg10[%dma_start3A_233] : memref<1000000xf32, #tpu.memory_space<vmem_shared>> -> memref<1000000xf32, #tpu.memory_space<vmem_shared>>
    tpu.enqueue_indirect_dma source(%dma_start3A_234 : memref<1000000xf32, #tpu.memory_space<vmem_shared>>) target(%dma_start3A_230 : memref<4352xf32, #tpu.memory_space<vmem>>) offsets(%dma_start3A_232 : memref<4352xi32, #tpu.memory_space<vmem>>) semaphore(%arg15 : memref<!tpu.dma_semaphore, #tpu.memory_space<semaphore_mem>>)
    %dma_wait3A_235 = arith.constant 6400 : i32
    %dma_wait3A_236 = tpu.memref_slice %arg7[%dma_wait3A_235] : memref<12800xf32, #tpu.memory_space<vmem>> -> memref<2048xf32, #tpu.memory_space<vmem>>
    %dma_wait3A_237 = arith.constant 6400 : i32
    %dma_wait3A_238 = tpu.memref_slice %arg6[%dma_wait3A_237] : memref<12800xi32, #tpu.memory_space<vmem>> -> memref<2048xi32, #tpu.memory_space<vmem>>
    %dma_wait3A_239 = arith.constant 0 : i32
    %dma_wait3A_240 = tpu.memref_slice %arg3[%dma_wait3A_239] : memref<1000000xf32, #tpu.memory_space<hbm>> -> memref<1000000xf32, #tpu.memory_space<hbm>>
    tpu.wait_indirect_dma semaphore(%arg14 : memref<!tpu.dma_semaphore, #tpu.memory_space<semaphore_mem>>) src(%dma_wait3A_240 : memref<1000000xf32, #tpu.memory_space<hbm>>) dst(%dma_wait3A_236 : memref<2048xf32, #tpu.memory_space<vmem>>)
    %dma_wait3A_241 = arith.constant 8448 : i32
    %dma_wait3A_242 = tpu.memref_slice %arg7[%dma_wait3A_241] : memref<12800xf32, #tpu.memory_space<vmem>> -> memref<4352xf32, #tpu.memory_space<vmem>>
    %dma_wait3A_243 = arith.constant 8448 : i32
    %dma_wait3A_244 = tpu.memref_slice %arg6[%dma_wait3A_243] : memref<12800xi32, #tpu.memory_space<vmem>> -> memref<4352xi32, #tpu.memory_space<vmem>>
    %dma_wait3A_245 = arith.constant 0 : i32
    %dma_wait3A_246 = tpu.memref_slice %arg10[%dma_wait3A_245] : memref<1000000xf32, #tpu.memory_space<vmem_shared>> -> memref<1000000xf32, #tpu.memory_space<vmem_shared>>
    tpu.wait_indirect_dma semaphore(%arg16 : memref<!tpu.dma_semaphore, #tpu.memory_space<semaphore_mem>>) src(%dma_wait3A_246 : memref<1000000xf32, #tpu.memory_space<vmem_shared>>) dst(%dma_wait3A_242 : memref<4352xf32, #tpu.memory_space<vmem>>)
    %dma_start3A_247 = arith.constant 6400 : i32
    %dma_start3A_248 = tpu.memref_slice %arg6[%dma_start3A_247] : memref<12800xi32, #tpu.memory_space<vmem>> -> memref<6400xi32, #tpu.memory_space<vmem>>
    %dma_start3A_249 = arith.constant 0 : i32
    %dma_start3A_250 = tpu.memref_slice %arg2[%add3A, %dma_start3A_249] : memref<32x51200xi32, #tpu.memory_space<hbm>> -> memref<1x51200xi32, #tpu.memory_space<hbm>>
    %dma_start3A_251 = tpu.memref_squeeze %dma_start3A_250 : memref<1x51200xi32, #tpu.memory_space<hbm>> -> memref<51200xi32, #tpu.memory_space<hbm>>
    %dma_start3A_252 = arith.constant 19200 : i32
    %dma_start3A_253 = tpu.memref_slice %dma_start3A_251[%dma_start3A_252] : memref<51200xi32, #tpu.memory_space<hbm>> -> memref<6400xi32, #tpu.memory_space<hbm>>
    %dma_start3A_254 = arith.constant 6400 : i32
    %dma_start3A_255 = tpu.memref_slice %arg6[%dma_start3A_254] : memref<12800xi32, #tpu.memory_space<vmem>> -> memref<6400xi32, #tpu.memory_space<vmem>>
    %dma_start3A_256 = arith.constant 0 : i32
    %dma_start3A_257 = tpu.memref_slice %arg2[%add3A, %dma_start3A_256] : memref<32x51200xi32, #tpu.memory_space<hbm>> -> memref<1x51200xi32, #tpu.memory_space<hbm>>
    %dma_start3A_258 = tpu.memref_squeeze %dma_start3A_257 : memref<1x51200xi32, #tpu.memory_space<hbm>> -> memref<51200xi32, #tpu.memory_space<hbm>>
    %dma_start3A_259 = arith.constant 19200 : i32
    %dma_start3A_260 = tpu.memref_slice %dma_start3A_258[%dma_start3A_259] : memref<51200xi32, #tpu.memory_space<hbm>> -> memref<6400xi32, #tpu.memory_space<hbm>>
    tpu.enqueue_dma source(%dma_start3A_260 : memref<6400xi32, #tpu.memory_space<hbm>>) target(%dma_start3A_255 : memref<6400xi32, #tpu.memory_space<vmem>>) target_semaphore(%arg12 : memref<!tpu.dma_semaphore, #tpu.memory_space<semaphore_mem>>)
    %broadcast_in_dim3A_261 = arith.constant 0.000000e+00 : f32
    %broadcast_in_dim3A_262 = vector.broadcast %broadcast_in_dim3A_261 : f32 to vector<16xf32>
    %broadcast_in_dim3A_263 = arith.constant 0.000000e+00 : f32
    %broadcast_in_dim3A_264 = vector.broadcast %broadcast_in_dim3A_263 : f32 to vector<16xf32>
    %broadcast_in_dim3A_265 = arith.constant 0.000000e+00 : f32
    %broadcast_in_dim3A_266 = vector.broadcast %broadcast_in_dim3A_265 : f32 to vector<16xf32>
    %broadcast_in_dim3A_267 = arith.constant 0.000000e+00 : f32
    %broadcast_in_dim3A_268 = vector.broadcast %broadcast_in_dim3A_267 : f32 to vector<16xf32>
    %add3A_269 = arith.constant 6400 : i32
    %add3A_270 = vector.broadcast %add3A_269 : i32 to vector<16xi32>
    %add3A_271 = arith.addi %mul3A_5, %add3A_270 : vector<16xi32>
    %add3A_272 = arith.constant 8000 : i32
    %add3A_273 = vector.broadcast %add3A_272 : i32 to vector<16xi32>
    %add3A_274 = arith.addi %mul3A_5, %add3A_273 : vector<16xi32>
    %add3A_275 = arith.constant 9600 : i32
    %add3A_276 = vector.broadcast %add3A_275 : i32 to vector<16xi32>
    %add3A_277 = arith.addi %mul3A_5, %add3A_276 : vector<16xi32>
    %add3A_278 = arith.constant 11200 : i32
    %add3A_279 = vector.broadcast %add3A_278 : i32 to vector<16xi32>
    %add3A_280 = arith.addi %mul3A_5, %add3A_279 : vector<16xi32>
    %scan3A_281 = arith.constant 0 : i32
    %scan3A_282 = arith.constant 100 : i32
    %scan3A_283 = arith.addi %scan3A_281, %scan3A_282 : i32
    %scan3A_284 = arith.constant 1 : i32
    %scan3A_285:8 = scf.for %scan3A_1249 = %scan3A_281 to %scan3A_283 step %scan3A_284 iter_args(%scan3A_1250 = %broadcast_in_dim3A_262, %scan3A_1251 = %broadcast_in_dim3A_264, %scan3A_1252 = %broadcast_in_dim3A_266, %scan3A_1253 = %broadcast_in_dim3A_268, %scan3A_1254 = %add3A_271, %scan3A_1255 = %add3A_274, %scan3A_1256 = %add3A_277, %scan3A_1257 = %add3A_280) -> (vector<16xf32>, vector<16xf32>, vector<16xf32>, vector<16xf32>, vector<16xi32>, vector<16xi32>, vector<16xi32>, vector<16xi32>)  : i32 {
      %gather3A = tpu.vector_load_idx %arg7[%scan3A_1254] : memref<12800xf32, #tpu.memory_space<vmem>>[vector<16xi32>], vector<16xf32>,
      %add3A_1258 = arith.addf %scan3A_1250, %gather3A : vector<16xf32>
      %gather3A_1259 = tpu.vector_load_idx %arg7[%scan3A_1255] : memref<12800xf32, #tpu.memory_space<vmem>>[vector<16xi32>], vector<16xf32>,
      %add3A_1260 = arith.addf %scan3A_1251, %gather3A_1259 : vector<16xf32>
      %gather3A_1261 = tpu.vector_load_idx %arg7[%scan3A_1256] : memref<12800xf32, #tpu.memory_space<vmem>>[vector<16xi32>], vector<16xf32>,
      %add3A_1262 = arith.addf %scan3A_1252, %gather3A_1261 : vector<16xf32>
      %gather3A_1263 = tpu.vector_load_idx %arg7[%scan3A_1257] : memref<12800xf32, #tpu.memory_space<vmem>>[vector<16xi32>], vector<16xf32>,
      %add3A_1264 = arith.addf %scan3A_1253, %gather3A_1263 : vector<16xf32>
      %add3A_1265 = arith.constant 1 : i32
      %add3A_1266 = vector.broadcast %add3A_1265 : i32 to vector<16xi32>
      %add3A_1267 = arith.addi %scan3A_1254, %add3A_1266 : vector<16xi32>
      %add3A_1268 = arith.constant 1 : i32
      %add3A_1269 = vector.broadcast %add3A_1268 : i32 to vector<16xi32>
      %add3A_1270 = arith.addi %scan3A_1255, %add3A_1269 : vector<16xi32>
      %add3A_1271 = arith.constant 1 : i32
      %add3A_1272 = vector.broadcast %add3A_1271 : i32 to vector<16xi32>
      %add3A_1273 = arith.addi %scan3A_1256, %add3A_1272 : vector<16xi32>
      %add3A_1274 = arith.constant 1 : i32
      %add3A_1275 = vector.broadcast %add3A_1274 : i32 to vector<16xi32>
      %add3A_1276 = arith.addi %scan3A_1257, %add3A_1275 : vector<16xi32>
      scf.yield %add3A_1258, %add3A_1260, %add3A_1262, %add3A_1264, %add3A_1267, %add3A_1270, %add3A_1273, %add3A_1276 : vector<16xf32>, vector<16xf32>, vector<16xf32>, vector<16xf32>, vector<16xi32>, vector<16xi32>, vector<16xi32>, vector<16xi32>
    }
    %scan3A_286 = arith.constant 100 : i32
    %get3A_287 = arith.constant 0 : index
    %get3A_288 = tpu.vector_load %arg9[%get3A_287] {strides = array<i32>} : memref<16xf32, #tpu.memory_space<vmem>>, vector<16xf32>,
    %add3A_289 = arith.addf %scan3A_285#0, %get3A_288 : vector<16xf32>
    %jit3A_290 = arith.constant -3.500000e+01 : f32
    %jit3A_291 = arith.constant 3.500000e+01 : f32
    %max3A_292 = vector.broadcast %jit3A_290 : f32 to vector<16xf32>
    %max3A_293 = arith.maximumf %max3A_292, %add3A_289 : vector<16xf32>
    %min3A_294 = vector.broadcast %jit3A_291 : f32 to vector<16xf32>
    %min3A_295 = arith.minimumf %min3A_294, %max3A_293 : vector<16xf32>
    %neg3A_296 = arith.constant 0.000000e+00 : f32
    %neg3A_297 = vector.broadcast %neg3A_296 : f32 to vector<16xf32>
    %neg3A_298 = arith.subf %neg3A_297, %min3A_295 : vector<16xf32>
    %exp3A_299 = math.exp %neg3A_298 : vector<16xf32>
    %add3A_300 = arith.constant 1.000000e+00 : f32
    %add3A_301 = vector.broadcast %add3A_300 : f32 to vector<16xf32>
    %add3A_302 = arith.addf %add3A_301, %exp3A_299 : vector<16xf32>
    %div3A_303 = arith.constant 1.000000e+00 : f32
    %div3A_304 = vector.broadcast %div3A_303 : f32 to vector<16xf32>
    %div3A_305 = arith.divf %div3A_304, %add3A_302 : vector<16xf32>
    %swap3A_306 = arith.constant 64 : index
    %swap3A_307 = tpu.vector_load %arg8[%swap3A_306] {strides = array<i32>} : memref<512xf32, #tpu.memory_space<vmem>>, vector<16xf32>,
    tpu.vector_store %arg8[%swap3A_306], %div3A_305 {strides = array<i32>} : memref<512xf32, #tpu.memory_space<vmem>>, vector<16xf32>,
    %add3A_308 = arith.addf %scan3A_285#1, %get3A_288 : vector<16xf32>
    %jit3A_309 = arith.constant -3.500000e+01 : f32
    %jit3A_310 = arith.constant 3.500000e+01 : f32
    %max3A_311 = vector.broadcast %jit3A_309 : f32 to vector<16xf32>
    %max3A_312 = arith.maximumf %max3A_311, %add3A_308 : vector<16xf32>
    %min3A_313 = vector.broadcast %jit3A_310 : f32 to vector<16xf32>
    %min3A_314 = arith.minimumf %min3A_313, %max3A_312 : vector<16xf32>
    %neg3A_315 = arith.constant 0.000000e+00 : f32
    %neg3A_316 = vector.broadcast %neg3A_315 : f32 to vector<16xf32>
    %neg3A_317 = arith.subf %neg3A_316, %min3A_314 : vector<16xf32>
    %exp3A_318 = math.exp %neg3A_317 : vector<16xf32>
    %add3A_319 = arith.constant 1.000000e+00 : f32
    %add3A_320 = vector.broadcast %add3A_319 : f32 to vector<16xf32>
    %add3A_321 = arith.addf %add3A_320, %exp3A_318 : vector<16xf32>
    %div3A_322 = arith.constant 1.000000e+00 : f32
    %div3A_323 = vector.broadcast %div3A_322 : f32 to vector<16xf32>
    %div3A_324 = arith.divf %div3A_323, %add3A_321 : vector<16xf32>
    %swap3A_325 = arith.constant 80 : index
    %swap3A_326 = tpu.vector_load %arg8[%swap3A_325] {strides = array<i32>} : memref<512xf32, #tpu.memory_space<vmem>>, vector<16xf32>,
    tpu.vector_store %arg8[%swap3A_325], %div3A_324 {strides = array<i32>} : memref<512xf32, #tpu.memory_space<vmem>>, vector<16xf32>,
    %add3A_327 = arith.addf %scan3A_285#2, %get3A_288 : vector<16xf32>
    %jit3A_328 = arith.constant -3.500000e+01 : f32
    %jit3A_329 = arith.constant 3.500000e+01 : f32
    %max3A_330 = vector.broadcast %jit3A_328 : f32 to vector<16xf32>
    %max3A_331 = arith.maximumf %max3A_330, %add3A_327 : vector<16xf32>
    %min3A_332 = vector.broadcast %jit3A_329 : f32 to vector<16xf32>
    %min3A_333 = arith.minimumf %min3A_332, %max3A_331 : vector<16xf32>
    %neg3A_334 = arith.constant 0.000000e+00 : f32
    %neg3A_335 = vector.broadcast %neg3A_334 : f32 to vector<16xf32>
    %neg3A_336 = arith.subf %neg3A_335, %min3A_333 : vector<16xf32>
    %exp3A_337 = math.exp %neg3A_336 : vector<16xf32>
    %add3A_338 = arith.constant 1.000000e+00 : f32
    %add3A_339 = vector.broadcast %add3A_338 : f32 to vector<16xf32>
    %add3A_340 = arith.addf %add3A_339, %exp3A_337 : vector<16xf32>
    %div3A_341 = arith.constant 1.000000e+00 : f32
    %div3A_342 = vector.broadcast %div3A_341 : f32 to vector<16xf32>
    %div3A_343 = arith.divf %div3A_342, %add3A_340 : vector<16xf32>
    %swap3A_344 = arith.constant 96 : index
    %swap3A_345 = tpu.vector_load %arg8[%swap3A_344] {strides = array<i32>} : memref<512xf32, #tpu.memory_space<vmem>>, vector<16xf32>,
    tpu.vector_store %arg8[%swap3A_344], %div3A_343 {strides = array<i32>} : memref<512xf32, #tpu.memory_space<vmem>>, vector<16xf32>,
    %add3A_346 = arith.addf %scan3A_285#3, %get3A_288 : vector<16xf32>
    %jit3A_347 = arith.constant -3.500000e+01 : f32
    %jit3A_348 = arith.constant 3.500000e+01 : f32
    %max3A_349 = vector.broadcast %jit3A_347 : f32 to vector<16xf32>
    %max3A_350 = arith.maximumf %max3A_349, %add3A_346 : vector<16xf32>
    %min3A_351 = vector.broadcast %jit3A_348 : f32 to vector<16xf32>
    %min3A_352 = arith.minimumf %min3A_351, %max3A_350 : vector<16xf32>
    %neg3A_353 = arith.constant 0.000000e+00 : f32
    %neg3A_354 = vector.broadcast %neg3A_353 : f32 to vector<16xf32>
    %neg3A_355 = arith.subf %neg3A_354, %min3A_352 : vector<16xf32>
    %exp3A_356 = math.exp %neg3A_355 : vector<16xf32>
    %add3A_357 = arith.constant 1.000000e+00 : f32
    %add3A_358 = vector.broadcast %add3A_357 : f32 to vector<16xf32>
    %add3A_359 = arith.addf %add3A_358, %exp3A_356 : vector<16xf32>
    %div3A_360 = arith.constant 1.000000e+00 : f32
    %div3A_361 = vector.broadcast %div3A_360 : f32 to vector<16xf32>
    %div3A_362 = arith.divf %div3A_361, %add3A_359 : vector<16xf32>
    %swap3A_363 = arith.constant 112 : index
    %swap3A_364 = tpu.vector_load %arg8[%swap3A_363] {strides = array<i32>} : memref<512xf32, #tpu.memory_space<vmem>>, vector<16xf32>,
    tpu.vector_store %arg8[%swap3A_363], %div3A_362 {strides = array<i32>} : memref<512xf32, #tpu.memory_space<vmem>>, vector<16xf32>,
    %dma_wait3A_365 = arith.constant 6400 : i32
    %dma_wait3A_366 = tpu.memref_slice %arg6[%dma_wait3A_365] : memref<12800xi32, #tpu.memory_space<vmem>> -> memref<6400xi32, #tpu.memory_space<vmem>>
    %dma_wait3A_367 = arith.constant 0 : i32
    %dma_wait3A_368 = tpu.memref_slice %arg2[%add3A, %dma_wait3A_367] : memref<32x51200xi32, #tpu.memory_space<hbm>> -> memref<1x51200xi32, #tpu.memory_space<hbm>>
    %dma_wait3A_369 = tpu.memref_squeeze %dma_wait3A_368 : memref<1x51200xi32, #tpu.memory_space<hbm>> -> memref<51200xi32, #tpu.memory_space<hbm>>
    %dma_wait3A_370 = arith.constant 19200 : i32
    %dma_wait3A_371 = tpu.memref_slice %dma_wait3A_369[%dma_wait3A_370] : memref<51200xi32, #tpu.memory_space<hbm>> -> memref<6400xi32, #tpu.memory_space<hbm>>
    %dma_wait3A_372 = arith.constant 6400 : i32
    %dma_wait3A_373 = tpu.memref_slice %arg6[%dma_wait3A_372] : memref<12800xi32, #tpu.memory_space<vmem>> -> memref<6400xi32, #tpu.memory_space<vmem>>
    %dma_wait3A_374 = arith.constant 0 : i32
    %dma_wait3A_375 = tpu.memref_slice %arg2[%add3A, %dma_wait3A_374] : memref<32x51200xi32, #tpu.memory_space<hbm>> -> memref<1x51200xi32, #tpu.memory_space<hbm>>
    %dma_wait3A_376 = tpu.memref_squeeze %dma_wait3A_375 : memref<1x51200xi32, #tpu.memory_space<hbm>> -> memref<51200xi32, #tpu.memory_space<hbm>>
    %dma_wait3A_377 = arith.constant 19200 : i32
    %dma_wait3A_378 = tpu.memref_slice %dma_wait3A_376[%dma_wait3A_377] : memref<51200xi32, #tpu.memory_space<hbm>> -> memref<6400xi32, #tpu.memory_space<hbm>>
    tpu.wait_dma2 semaphore(%arg12 : memref<!tpu.dma_semaphore, #tpu.memory_space<semaphore_mem>>) src(%dma_wait3A_378 : memref<6400xi32, #tpu.memory_space<hbm>>) dst(%dma_wait3A_373 : memref<6400xi32, #tpu.memory_space<vmem>>)
    %dma_start3A_379 = arith.constant 6400 : i32
    %dma_start3A_380 = tpu.memref_slice %arg7[%dma_start3A_379] : memref<12800xf32, #tpu.memory_space<vmem>> -> memref<2048xf32, #tpu.memory_space<vmem>>
    %dma_start3A_381 = arith.constant 6400 : i32
    %dma_start3A_382 = tpu.memref_slice %arg6[%dma_start3A_381] : memref<12800xi32, #tpu.memory_space<vmem>> -> memref<2048xi32, #tpu.memory_space<vmem>>
    %dma_start3A_383 = arith.constant 0 : i32
    %dma_start3A_384 = tpu.memref_slice %arg3[%dma_start3A_383] : memref<1000000xf32, #tpu.memory_space<hbm>> -> memref<1000000xf32, #tpu.memory_space<hbm>>
    tpu.enqueue_indirect_dma source(%dma_start3A_384 : memref<1000000xf32, #tpu.memory_space<hbm>>) target(%dma_start3A_380 : memref<2048xf32, #tpu.memory_space<vmem>>) offsets(%dma_start3A_382 : memref<2048xi32, #tpu.memory_space<vmem>>) semaphore(%arg14 : memref<!tpu.dma_semaphore, #tpu.memory_space<semaphore_mem>>)
    %dma_start3A_385 = arith.constant 8448 : i32
    %dma_start3A_386 = tpu.memref_slice %arg7[%dma_start3A_385] : memref<12800xf32, #tpu.memory_space<vmem>> -> memref<4352xf32, #tpu.memory_space<vmem>>
    %dma_start3A_387 = arith.constant 8448 : i32
    %dma_start3A_388 = tpu.memref_slice %arg6[%dma_start3A_387] : memref<12800xi32, #tpu.memory_space<vmem>> -> memref<4352xi32, #tpu.memory_space<vmem>>
    %dma_start3A_389 = arith.constant 0 : i32
    %dma_start3A_390 = tpu.memref_slice %arg10[%dma_start3A_389] : memref<1000000xf32, #tpu.memory_space<vmem_shared>> -> memref<1000000xf32, #tpu.memory_space<vmem_shared>>
    tpu.enqueue_indirect_dma source(%dma_start3A_390 : memref<1000000xf32, #tpu.memory_space<vmem_shared>>) target(%dma_start3A_386 : memref<4352xf32, #tpu.memory_space<vmem>>) offsets(%dma_start3A_388 : memref<4352xi32, #tpu.memory_space<vmem>>) semaphore(%arg16 : memref<!tpu.dma_semaphore, #tpu.memory_space<semaphore_mem>>)
    %dma_wait3A_391 = arith.constant 0 : i32
    %dma_wait3A_392 = tpu.memref_slice %arg7[%dma_wait3A_391] : memref<12800xf32, #tpu.memory_space<vmem>> -> memref<2048xf32, #tpu.memory_space<vmem>>
    %dma_wait3A_393 = arith.constant 0 : i32
    %dma_wait3A_394 = tpu.memref_slice %arg6[%dma_wait3A_393] : memref<12800xi32, #tpu.memory_space<vmem>> -> memref<2048xi32, #tpu.memory_space<vmem>>
    %dma_wait3A_395 = arith.constant 0 : i32
    %dma_wait3A_396 = tpu.memref_slice %arg3[%dma_wait3A_395] : memref<1000000xf32, #tpu.memory_space<hbm>> -> memref<1000000xf32, #tpu.memory_space<hbm>>
    tpu.wait_indirect_dma semaphore(%arg13 : memref<!tpu.dma_semaphore, #tpu.memory_space<semaphore_mem>>) src(%dma_wait3A_396 : memref<1000000xf32, #tpu.memory_space<hbm>>) dst(%dma_wait3A_392 : memref<2048xf32, #tpu.memory_space<vmem>>)
    %dma_wait3A_397 = arith.constant 2048 : i32
    %dma_wait3A_398 = tpu.memref_slice %arg7[%dma_wait3A_397] : memref<12800xf32, #tpu.memory_space<vmem>> -> memref<4352xf32, #tpu.memory_space<vmem>>
    %dma_wait3A_399 = arith.constant 2048 : i32
    %dma_wait3A_400 = tpu.memref_slice %arg6[%dma_wait3A_399] : memref<12800xi32, #tpu.memory_space<vmem>> -> memref<4352xi32, #tpu.memory_space<vmem>>
    %dma_wait3A_401 = arith.constant 0 : i32
    %dma_wait3A_402 = tpu.memref_slice %arg10[%dma_wait3A_401] : memref<1000000xf32, #tpu.memory_space<vmem_shared>> -> memref<1000000xf32, #tpu.memory_space<vmem_shared>>
    tpu.wait_indirect_dma semaphore(%arg15 : memref<!tpu.dma_semaphore, #tpu.memory_space<semaphore_mem>>) src(%dma_wait3A_402 : memref<1000000xf32, #tpu.memory_space<vmem_shared>>) dst(%dma_wait3A_398 : memref<4352xf32, #tpu.memory_space<vmem>>)
    %dma_start3A_403 = arith.constant 0 : i32
    %dma_start3A_404 = tpu.memref_slice %arg6[%dma_start3A_403] : memref<12800xi32, #tpu.memory_space<vmem>> -> memref<6400xi32, #tpu.memory_space<vmem>>
    %dma_start3A_405 = arith.constant 0 : i32
    %dma_start3A_406 = tpu.memref_slice %arg2[%add3A, %dma_start3A_405] : memref<32x51200xi32, #tpu.memory_space<hbm>> -> memref<1x51200xi32, #tpu.memory_space<hbm>>
    %dma_start3A_407 = tpu.memref_squeeze %dma_start3A_406 : memref<1x51200xi32, #tpu.memory_space<hbm>> -> memref<51200xi32, #tpu.memory_space<hbm>>
    %dma_start3A_408 = arith.constant 25600 : i32
    %dma_start3A_409 = tpu.memref_slice %dma_start3A_407[%dma_start3A_408] : memref<51200xi32, #tpu.memory_space<hbm>> -> memref<6400xi32, #tpu.memory_space<hbm>>
    %dma_start3A_410 = arith.constant 0 : i32
    %dma_start3A_411 = tpu.memref_slice %arg6[%dma_start3A_410] : memref<12800xi32, #tpu.memory_space<vmem>> -> memref<6400xi32, #tpu.memory_space<vmem>>
    %dma_start3A_412 = arith.constant 0 : i32
    %dma_start3A_413 = tpu.memref_slice %arg2[%add3A, %dma_start3A_412] : memref<32x51200xi32, #tpu.memory_space<hbm>> -> memref<1x51200xi32, #tpu.memory_space<hbm>>
    %dma_start3A_414 = tpu.memref_squeeze %dma_start3A_413 : memref<1x51200xi32, #tpu.memory_space<hbm>> -> memref<51200xi32, #tpu.memory_space<hbm>>
    %dma_start3A_415 = arith.constant 25600 : i32
    %dma_start3A_416 = tpu.memref_slice %dma_start3A_414[%dma_start3A_415] : memref<51200xi32, #tpu.memory_space<hbm>> -> memref<6400xi32, #tpu.memory_space<hbm>>
    tpu.enqueue_dma source(%dma_start3A_416 : memref<6400xi32, #tpu.memory_space<hbm>>) target(%dma_start3A_411 : memref<6400xi32, #tpu.memory_space<vmem>>) target_semaphore(%arg11 : memref<!tpu.dma_semaphore, #tpu.memory_space<semaphore_mem>>)
    %broadcast_in_dim3A_417 = arith.constant 0.000000e+00 : f32
    %broadcast_in_dim3A_418 = vector.broadcast %broadcast_in_dim3A_417 : f32 to vector<16xf32>
    %broadcast_in_dim3A_419 = arith.constant 0.000000e+00 : f32
    %broadcast_in_dim3A_420 = vector.broadcast %broadcast_in_dim3A_419 : f32 to vector<16xf32>
    %broadcast_in_dim3A_421 = arith.constant 0.000000e+00 : f32
    %broadcast_in_dim3A_422 = vector.broadcast %broadcast_in_dim3A_421 : f32 to vector<16xf32>
    %broadcast_in_dim3A_423 = arith.constant 0.000000e+00 : f32
    %broadcast_in_dim3A_424 = vector.broadcast %broadcast_in_dim3A_423 : f32 to vector<16xf32>
    %add3A_425 = arith.constant 0 : i32
    %add3A_426 = vector.broadcast %add3A_425 : i32 to vector<16xi32>
    %add3A_427 = arith.addi %mul3A_5, %add3A_426 : vector<16xi32>
    %add3A_428 = arith.constant 1600 : i32
    %add3A_429 = vector.broadcast %add3A_428 : i32 to vector<16xi32>
    %add3A_430 = arith.addi %mul3A_5, %add3A_429 : vector<16xi32>
    %add3A_431 = arith.constant 3200 : i32
    %add3A_432 = vector.broadcast %add3A_431 : i32 to vector<16xi32>
    %add3A_433 = arith.addi %mul3A_5, %add3A_432 : vector<16xi32>
    %add3A_434 = arith.constant 4800 : i32
    %add3A_435 = vector.broadcast %add3A_434 : i32 to vector<16xi32>
    %add3A_436 = arith.addi %mul3A_5, %add3A_435 : vector<16xi32>
    %scan3A_437 = arith.constant 0 : i32
    %scan3A_438 = arith.constant 100 : i32
    %scan3A_439 = arith.addi %scan3A_437, %scan3A_438 : i32
    %scan3A_440 = arith.constant 1 : i32
    %scan3A_441:8 = scf.for %scan3A_1249 = %scan3A_437 to %scan3A_439 step %scan3A_440 iter_args(%scan3A_1250 = %broadcast_in_dim3A_418, %scan3A_1251 = %broadcast_in_dim3A_420, %scan3A_1252 = %broadcast_in_dim3A_422, %scan3A_1253 = %broadcast_in_dim3A_424, %scan3A_1254 = %add3A_427, %scan3A_1255 = %add3A_430, %scan3A_1256 = %add3A_433, %scan3A_1257 = %add3A_436) -> (vector<16xf32>, vector<16xf32>, vector<16xf32>, vector<16xf32>, vector<16xi32>, vector<16xi32>, vector<16xi32>, vector<16xi32>)  : i32 {
      %gather3A = tpu.vector_load_idx %arg7[%scan3A_1254] : memref<12800xf32, #tpu.memory_space<vmem>>[vector<16xi32>], vector<16xf32>,
      %add3A_1258 = arith.addf %scan3A_1250, %gather3A : vector<16xf32>
      %gather3A_1259 = tpu.vector_load_idx %arg7[%scan3A_1255] : memref<12800xf32, #tpu.memory_space<vmem>>[vector<16xi32>], vector<16xf32>,
      %add3A_1260 = arith.addf %scan3A_1251, %gather3A_1259 : vector<16xf32>
      %gather3A_1261 = tpu.vector_load_idx %arg7[%scan3A_1256] : memref<12800xf32, #tpu.memory_space<vmem>>[vector<16xi32>], vector<16xf32>,
      %add3A_1262 = arith.addf %scan3A_1252, %gather3A_1261 : vector<16xf32>
      %gather3A_1263 = tpu.vector_load_idx %arg7[%scan3A_1257] : memref<12800xf32, #tpu.memory_space<vmem>>[vector<16xi32>], vector<16xf32>,
      %add3A_1264 = arith.addf %scan3A_1253, %gather3A_1263 : vector<16xf32>
      %add3A_1265 = arith.constant 1 : i32
      %add3A_1266 = vector.broadcast %add3A_1265 : i32 to vector<16xi32>
      %add3A_1267 = arith.addi %scan3A_1254, %add3A_1266 : vector<16xi32>
      %add3A_1268 = arith.constant 1 : i32
      %add3A_1269 = vector.broadcast %add3A_1268 : i32 to vector<16xi32>
      %add3A_1270 = arith.addi %scan3A_1255, %add3A_1269 : vector<16xi32>
      %add3A_1271 = arith.constant 1 : i32
      %add3A_1272 = vector.broadcast %add3A_1271 : i32 to vector<16xi32>
      %add3A_1273 = arith.addi %scan3A_1256, %add3A_1272 : vector<16xi32>
      %add3A_1274 = arith.constant 1 : i32
      %add3A_1275 = vector.broadcast %add3A_1274 : i32 to vector<16xi32>
      %add3A_1276 = arith.addi %scan3A_1257, %add3A_1275 : vector<16xi32>
      scf.yield %add3A_1258, %add3A_1260, %add3A_1262, %add3A_1264, %add3A_1267, %add3A_1270, %add3A_1273, %add3A_1276 : vector<16xf32>, vector<16xf32>, vector<16xf32>, vector<16xf32>, vector<16xi32>, vector<16xi32>, vector<16xi32>, vector<16xi32>
    }
    %scan3A_442 = arith.constant 100 : i32
    %get3A_443 = arith.constant 0 : index
    %get3A_444 = tpu.vector_load %arg9[%get3A_443] {strides = array<i32>} : memref<16xf32, #tpu.memory_space<vmem>>, vector<16xf32>,
    %add3A_445 = arith.addf %scan3A_441#0, %get3A_444 : vector<16xf32>
    %jit3A_446 = arith.constant -3.500000e+01 : f32
    %jit3A_447 = arith.constant 3.500000e+01 : f32
    %max3A_448 = vector.broadcast %jit3A_446 : f32 to vector<16xf32>
    %max3A_449 = arith.maximumf %max3A_448, %add3A_445 : vector<16xf32>
    %min3A_450 = vector.broadcast %jit3A_447 : f32 to vector<16xf32>
    %min3A_451 = arith.minimumf %min3A_450, %max3A_449 : vector<16xf32>
    %neg3A_452 = arith.constant 0.000000e+00 : f32
    %neg3A_453 = vector.broadcast %neg3A_452 : f32 to vector<16xf32>
    %neg3A_454 = arith.subf %neg3A_453, %min3A_451 : vector<16xf32>
    %exp3A_455 = math.exp %neg3A_454 : vector<16xf32>
    %add3A_456 = arith.constant 1.000000e+00 : f32
    %add3A_457 = vector.broadcast %add3A_456 : f32 to vector<16xf32>
    %add3A_458 = arith.addf %add3A_457, %exp3A_455 : vector<16xf32>
    %div3A_459 = arith.constant 1.000000e+00 : f32
    %div3A_460 = vector.broadcast %div3A_459 : f32 to vector<16xf32>
    %div3A_461 = arith.divf %div3A_460, %add3A_458 : vector<16xf32>
    %swap3A_462 = arith.constant 128 : index
    %swap3A_463 = tpu.vector_load %arg8[%swap3A_462] {strides = array<i32>} : memref<512xf32, #tpu.memory_space<vmem>>, vector<16xf32>,
    tpu.vector_store %arg8[%swap3A_462], %div3A_461 {strides = array<i32>} : memref<512xf32, #tpu.memory_space<vmem>>, vector<16xf32>,
    %add3A_464 = arith.addf %scan3A_441#1, %get3A_444 : vector<16xf32>
    %jit3A_465 = arith.constant -3.500000e+01 : f32
    %jit3A_466 = arith.constant 3.500000e+01 : f32
    %max3A_467 = vector.broadcast %jit3A_465 : f32 to vector<16xf32>
    %max3A_468 = arith.maximumf %max3A_467, %add3A_464 : vector<16xf32>
    %min3A_469 = vector.broadcast %jit3A_466 : f32 to vector<16xf32>
    %min3A_470 = arith.minimumf %min3A_469, %max3A_468 : vector<16xf32>
    %neg3A_471 = arith.constant 0.000000e+00 : f32
    %neg3A_472 = vector.broadcast %neg3A_471 : f32 to vector<16xf32>
    %neg3A_473 = arith.subf %neg3A_472, %min3A_470 : vector<16xf32>
    %exp3A_474 = math.exp %neg3A_473 : vector<16xf32>
    %add3A_475 = arith.constant 1.000000e+00 : f32
    %add3A_476 = vector.broadcast %add3A_475 : f32 to vector<16xf32>
    %add3A_477 = arith.addf %add3A_476, %exp3A_474 : vector<16xf32>
    %div3A_478 = arith.constant 1.000000e+00 : f32
    %div3A_479 = vector.broadcast %div3A_478 : f32 to vector<16xf32>
    %div3A_480 = arith.divf %div3A_479, %add3A_477 : vector<16xf32>
    %swap3A_481 = arith.constant 144 : index
    %swap3A_482 = tpu.vector_load %arg8[%swap3A_481] {strides = array<i32>} : memref<512xf32, #tpu.memory_space<vmem>>, vector<16xf32>,
    tpu.vector_store %arg8[%swap3A_481], %div3A_480 {strides = array<i32>} : memref<512xf32, #tpu.memory_space<vmem>>, vector<16xf32>,
    %add3A_483 = arith.addf %scan3A_441#2, %get3A_444 : vector<16xf32>
    %jit3A_484 = arith.constant -3.500000e+01 : f32
    %jit3A_485 = arith.constant 3.500000e+01 : f32
    %max3A_486 = vector.broadcast %jit3A_484 : f32 to vector<16xf32>
    %max3A_487 = arith.maximumf %max3A_486, %add3A_483 : vector<16xf32>
    %min3A_488 = vector.broadcast %jit3A_485 : f32 to vector<16xf32>
    %min3A_489 = arith.minimumf %min3A_488, %max3A_487 : vector<16xf32>
    %neg3A_490 = arith.constant 0.000000e+00 : f32
    %neg3A_491 = vector.broadcast %neg3A_490 : f32 to vector<16xf32>
    %neg3A_492 = arith.subf %neg3A_491, %min3A_489 : vector<16xf32>
    %exp3A_493 = math.exp %neg3A_492 : vector<16xf32>
    %add3A_494 = arith.constant 1.000000e+00 : f32
    %add3A_495 = vector.broadcast %add3A_494 : f32 to vector<16xf32>
    %add3A_496 = arith.addf %add3A_495, %exp3A_493 : vector<16xf32>
    %div3A_497 = arith.constant 1.000000e+00 : f32
    %div3A_498 = vector.broadcast %div3A_497 : f32 to vector<16xf32>
    %div3A_499 = arith.divf %div3A_498, %add3A_496 : vector<16xf32>
    %swap3A_500 = arith.constant 160 : index
    %swap3A_501 = tpu.vector_load %arg8[%swap3A_500] {strides = array<i32>} : memref<512xf32, #tpu.memory_space<vmem>>, vector<16xf32>,
    tpu.vector_store %arg8[%swap3A_500], %div3A_499 {strides = array<i32>} : memref<512xf32, #tpu.memory_space<vmem>>, vector<16xf32>,
    %add3A_502 = arith.addf %scan3A_441#3, %get3A_444 : vector<16xf32>
    %jit3A_503 = arith.constant -3.500000e+01 : f32
    %jit3A_504 = arith.constant 3.500000e+01 : f32
    %max3A_505 = vector.broadcast %jit3A_503 : f32 to vector<16xf32>
    %max3A_506 = arith.maximumf %max3A_505, %add3A_502 : vector<16xf32>
    %min3A_507 = vector.broadcast %jit3A_504 : f32 to vector<16xf32>
    %min3A_508 = arith.minimumf %min3A_507, %max3A_506 : vector<16xf32>
    %neg3A_509 = arith.constant 0.000000e+00 : f32
    %neg3A_510 = vector.broadcast %neg3A_509 : f32 to vector<16xf32>
    %neg3A_511 = arith.subf %neg3A_510, %min3A_508 : vector<16xf32>
    %exp3A_512 = math.exp %neg3A_511 : vector<16xf32>
    %add3A_513 = arith.constant 1.000000e+00 : f32
    %add3A_514 = vector.broadcast %add3A_513 : f32 to vector<16xf32>
    %add3A_515 = arith.addf %add3A_514, %exp3A_512 : vector<16xf32>
    %div3A_516 = arith.constant 1.000000e+00 : f32
    %div3A_517 = vector.broadcast %div3A_516 : f32 to vector<16xf32>
    %div3A_518 = arith.divf %div3A_517, %add3A_515 : vector<16xf32>
    %swap3A_519 = arith.constant 176 : index
    %swap3A_520 = tpu.vector_load %arg8[%swap3A_519] {strides = array<i32>} : memref<512xf32, #tpu.memory_space<vmem>>, vector<16xf32>,
    tpu.vector_store %arg8[%swap3A_519], %div3A_518 {strides = array<i32>} : memref<512xf32, #tpu.memory_space<vmem>>, vector<16xf32>,
    %dma_wait3A_521 = arith.constant 0 : i32
    %dma_wait3A_522 = tpu.memref_slice %arg6[%dma_wait3A_521] : memref<12800xi32, #tpu.memory_space<vmem>> -> memref<6400xi32, #tpu.memory_space<vmem>>
    %dma_wait3A_523 = arith.constant 0 : i32
    %dma_wait3A_524 = tpu.memref_slice %arg2[%add3A, %dma_wait3A_523] : memref<32x51200xi32, #tpu.memory_space<hbm>> -> memref<1x51200xi32, #tpu.memory_space<hbm>>
    %dma_wait3A_525 = tpu.memref_squeeze %dma_wait3A_524 : memref<1x51200xi32, #tpu.memory_space<hbm>> -> memref<51200xi32, #tpu.memory_space<hbm>>
    %dma_wait3A_526 = arith.constant 25600 : i32
    %dma_wait3A_527 = tpu.memref_slice %dma_wait3A_525[%dma_wait3A_526] : memref<51200xi32, #tpu.memory_space<hbm>> -> memref<6400xi32, #tpu.memory_space<hbm>>
    %dma_wait3A_528 = arith.constant 0 : i32
    %dma_wait3A_529 = tpu.memref_slice %arg6[%dma_wait3A_528] : memref<12800xi32, #tpu.memory_space<vmem>> -> memref<6400xi32, #tpu.memory_space<vmem>>
    %dma_wait3A_530 = arith.constant 0 : i32
    %dma_wait3A_531 = tpu.memref_slice %arg2[%add3A, %dma_wait3A_530] : memref<32x51200xi32, #tpu.memory_space<hbm>> -> memref<1x51200xi32, #tpu.memory_space<hbm>>
    %dma_wait3A_532 = tpu.memref_squeeze %dma_wait3A_531 : memref<1x51200xi32, #tpu.memory_space<hbm>> -> memref<51200xi32, #tpu.memory_space<hbm>>
    %dma_wait3A_533 = arith.constant 25600 : i32
    %dma_wait3A_534 = tpu.memref_slice %dma_wait3A_532[%dma_wait3A_533] : memref<51200xi32, #tpu.memory_space<hbm>> -> memref<6400xi32, #tpu.memory_space<hbm>>
    tpu.wait_dma2 semaphore(%arg11 : memref<!tpu.dma_semaphore, #tpu.memory_space<semaphore_mem>>) src(%dma_wait3A_534 : memref<6400xi32, #tpu.memory_space<hbm>>) dst(%dma_wait3A_529 : memref<6400xi32, #tpu.memory_space<vmem>>)
    %dma_start3A_535 = arith.constant 0 : i32
    %dma_start3A_536 = tpu.memref_slice %arg7[%dma_start3A_535] : memref<12800xf32, #tpu.memory_space<vmem>> -> memref<2048xf32, #tpu.memory_space<vmem>>
    %dma_start3A_537 = arith.constant 0 : i32
    %dma_start3A_538 = tpu.memref_slice %arg6[%dma_start3A_537] : memref<12800xi32, #tpu.memory_space<vmem>> -> memref<2048xi32, #tpu.memory_space<vmem>>
    %dma_start3A_539 = arith.constant 0 : i32
    %dma_start3A_540 = tpu.memref_slice %arg3[%dma_start3A_539] : memref<1000000xf32, #tpu.memory_space<hbm>> -> memref<1000000xf32, #tpu.memory_space<hbm>>
    tpu.enqueue_indirect_dma source(%dma_start3A_540 : memref<1000000xf32, #tpu.memory_space<hbm>>) target(%dma_start3A_536 : memref<2048xf32, #tpu.memory_space<vmem>>) offsets(%dma_start3A_538 : memref<2048xi32, #tpu.memory_space<vmem>>) semaphore(%arg13 : memref<!tpu.dma_semaphore, #tpu.memory_space<semaphore_mem>>)
    %dma_start3A_541 = arith.constant 2048 : i32
    %dma_start3A_542 = tpu.memref_slice %arg7[%dma_start3A_541] : memref<12800xf32, #tpu.memory_space<vmem>> -> memref<4352xf32, #tpu.memory_space<vmem>>
    %dma_start3A_543 = arith.constant 2048 : i32
    %dma_start3A_544 = tpu.memref_slice %arg6[%dma_start3A_543] : memref<12800xi32, #tpu.memory_space<vmem>> -> memref<4352xi32, #tpu.memory_space<vmem>>
    %dma_start3A_545 = arith.constant 0 : i32
    %dma_start3A_546 = tpu.memref_slice %arg10[%dma_start3A_545] : memref<1000000xf32, #tpu.memory_space<vmem_shared>> -> memref<1000000xf32, #tpu.memory_space<vmem_shared>>
    tpu.enqueue_indirect_dma source(%dma_start3A_546 : memref<1000000xf32, #tpu.memory_space<vmem_shared>>) target(%dma_start3A_542 : memref<4352xf32, #tpu.memory_space<vmem>>) offsets(%dma_start3A_544 : memref<4352xi32, #tpu.memory_space<vmem>>) semaphore(%arg15 : memref<!tpu.dma_semaphore, #tpu.memory_space<semaphore_mem>>)
    %dma_wait3A_547 = arith.constant 6400 : i32
    %dma_wait3A_548 = tpu.memref_slice %arg7[%dma_wait3A_547] : memref<12800xf32, #tpu.memory_space<vmem>> -> memref<2048xf32, #tpu.memory_space<vmem>>
    %dma_wait3A_549 = arith.constant 6400 : i32
    %dma_wait3A_550 = tpu.memref_slice %arg6[%dma_wait3A_549] : memref<12800xi32, #tpu.memory_space<vmem>> -> memref<2048xi32, #tpu.memory_space<vmem>>
    %dma_wait3A_551 = arith.constant 0 : i32
    %dma_wait3A_552 = tpu.memref_slice %arg3[%dma_wait3A_551] : memref<1000000xf32, #tpu.memory_space<hbm>> -> memref<1000000xf32, #tpu.memory_space<hbm>>
    tpu.wait_indirect_dma semaphore(%arg14 : memref<!tpu.dma_semaphore, #tpu.memory_space<semaphore_mem>>) src(%dma_wait3A_552 : memref<1000000xf32, #tpu.memory_space<hbm>>) dst(%dma_wait3A_548 : memref<2048xf32, #tpu.memory_space<vmem>>)
    %dma_wait3A_553 = arith.constant 8448 : i32
    %dma_wait3A_554 = tpu.memref_slice %arg7[%dma_wait3A_553] : memref<12800xf32, #tpu.memory_space<vmem>> -> memref<4352xf32, #tpu.memory_space<vmem>>
    %dma_wait3A_555 = arith.constant 8448 : i32
    %dma_wait3A_556 = tpu.memref_slice %arg6[%dma_wait3A_555] : memref<12800xi32, #tpu.memory_space<vmem>> -> memref<4352xi32, #tpu.memory_space<vmem>>
    %dma_wait3A_557 = arith.constant 0 : i32
    %dma_wait3A_558 = tpu.memref_slice %arg10[%dma_wait3A_557] : memref<1000000xf32, #tpu.memory_space<vmem_shared>> -> memref<1000000xf32, #tpu.memory_space<vmem_shared>>
    tpu.wait_indirect_dma semaphore(%arg16 : memref<!tpu.dma_semaphore, #tpu.memory_space<semaphore_mem>>) src(%dma_wait3A_558 : memref<1000000xf32, #tpu.memory_space<vmem_shared>>) dst(%dma_wait3A_554 : memref<4352xf32, #tpu.memory_space<vmem>>)
    %dma_start3A_559 = arith.constant 6400 : i32
    %dma_start3A_560 = tpu.memref_slice %arg6[%dma_start3A_559] : memref<12800xi32, #tpu.memory_space<vmem>> -> memref<6400xi32, #tpu.memory_space<vmem>>
    %dma_start3A_561 = arith.constant 0 : i32
    %dma_start3A_562 = tpu.memref_slice %arg2[%add3A, %dma_start3A_561] : memref<32x51200xi32, #tpu.memory_space<hbm>> -> memref<1x51200xi32, #tpu.memory_space<hbm>>
    %dma_start3A_563 = tpu.memref_squeeze %dma_start3A_562 : memref<1x51200xi32, #tpu.memory_space<hbm>> -> memref<51200xi32, #tpu.memory_space<hbm>>
    %dma_start3A_564 = arith.constant 32000 : i32
    %dma_start3A_565 = tpu.memref_slice %dma_start3A_563[%dma_start3A_564] : memref<51200xi32, #tpu.memory_space<hbm>> -> memref<6400xi32, #tpu.memory_space<hbm>>
    %dma_start3A_566 = arith.constant 6400 : i32
    %dma_start3A_567 = tpu.memref_slice %arg6[%dma_start3A_566] : memref<12800xi32, #tpu.memory_space<vmem>> -> memref<6400xi32, #tpu.memory_space<vmem>>
    %dma_start3A_568 = arith.constant 0 : i32
    %dma_start3A_569 = tpu.memref_slice %arg2[%add3A, %dma_start3A_568] : memref<32x51200xi32, #tpu.memory_space<hbm>> -> memref<1x51200xi32, #tpu.memory_space<hbm>>
    %dma_start3A_570 = tpu.memref_squeeze %dma_start3A_569 : memref<1x51200xi32, #tpu.memory_space<hbm>> -> memref<51200xi32, #tpu.memory_space<hbm>>
    %dma_start3A_571 = arith.constant 32000 : i32
    %dma_start3A_572 = tpu.memref_slice %dma_start3A_570[%dma_start3A_571] : memref<51200xi32, #tpu.memory_space<hbm>> -> memref<6400xi32, #tpu.memory_space<hbm>>
    tpu.enqueue_dma source(%dma_start3A_572 : memref<6400xi32, #tpu.memory_space<hbm>>) target(%dma_start3A_567 : memref<6400xi32, #tpu.memory_space<vmem>>) target_semaphore(%arg12 : memref<!tpu.dma_semaphore, #tpu.memory_space<semaphore_mem>>)
    %broadcast_in_dim3A_573 = arith.constant 0.000000e+00 : f32
    %broadcast_in_dim3A_574 = vector.broadcast %broadcast_in_dim3A_573 : f32 to vector<16xf32>
    %broadcast_in_dim3A_575 = arith.constant 0.000000e+00 : f32
    %broadcast_in_dim3A_576 = vector.broadcast %broadcast_in_dim3A_575 : f32 to vector<16xf32>
    %broadcast_in_dim3A_577 = arith.constant 0.000000e+00 : f32
    %broadcast_in_dim3A_578 = vector.broadcast %broadcast_in_dim3A_577 : f32 to vector<16xf32>
    %broadcast_in_dim3A_579 = arith.constant 0.000000e+00 : f32
    %broadcast_in_dim3A_580 = vector.broadcast %broadcast_in_dim3A_579 : f32 to vector<16xf32>
    %add3A_581 = arith.constant 6400 : i32
    %add3A_582 = vector.broadcast %add3A_581 : i32 to vector<16xi32>
    %add3A_583 = arith.addi %mul3A_5, %add3A_582 : vector<16xi32>
    %add3A_584 = arith.constant 8000 : i32
    %add3A_585 = vector.broadcast %add3A_584 : i32 to vector<16xi32>
    %add3A_586 = arith.addi %mul3A_5, %add3A_585 : vector<16xi32>
    %add3A_587 = arith.constant 9600 : i32
    %add3A_588 = vector.broadcast %add3A_587 : i32 to vector<16xi32>
    %add3A_589 = arith.addi %mul3A_5, %add3A_588 : vector<16xi32>
    %add3A_590 = arith.constant 11200 : i32
    %add3A_591 = vector.broadcast %add3A_590 : i32 to vector<16xi32>
    %add3A_592 = arith.addi %mul3A_5, %add3A_591 : vector<16xi32>
    %scan3A_593 = arith.constant 0 : i32
    %scan3A_594 = arith.constant 100 : i32
    %scan3A_595 = arith.addi %scan3A_593, %scan3A_594 : i32
    %scan3A_596 = arith.constant 1 : i32
    %scan3A_597:8 = scf.for %scan3A_1249 = %scan3A_593 to %scan3A_595 step %scan3A_596 iter_args(%scan3A_1250 = %broadcast_in_dim3A_574, %scan3A_1251 = %broadcast_in_dim3A_576, %scan3A_1252 = %broadcast_in_dim3A_578, %scan3A_1253 = %broadcast_in_dim3A_580, %scan3A_1254 = %add3A_583, %scan3A_1255 = %add3A_586, %scan3A_1256 = %add3A_589, %scan3A_1257 = %add3A_592) -> (vector<16xf32>, vector<16xf32>, vector<16xf32>, vector<16xf32>, vector<16xi32>, vector<16xi32>, vector<16xi32>, vector<16xi32>)  : i32 {
      %gather3A = tpu.vector_load_idx %arg7[%scan3A_1254] : memref<12800xf32, #tpu.memory_space<vmem>>[vector<16xi32>], vector<16xf32>,
      %add3A_1258 = arith.addf %scan3A_1250, %gather3A : vector<16xf32>
      %gather3A_1259 = tpu.vector_load_idx %arg7[%scan3A_1255] : memref<12800xf32, #tpu.memory_space<vmem>>[vector<16xi32>], vector<16xf32>,
      %add3A_1260 = arith.addf %scan3A_1251, %gather3A_1259 : vector<16xf32>
      %gather3A_1261 = tpu.vector_load_idx %arg7[%scan3A_1256] : memref<12800xf32, #tpu.memory_space<vmem>>[vector<16xi32>], vector<16xf32>,
      %add3A_1262 = arith.addf %scan3A_1252, %gather3A_1261 : vector<16xf32>
      %gather3A_1263 = tpu.vector_load_idx %arg7[%scan3A_1257] : memref<12800xf32, #tpu.memory_space<vmem>>[vector<16xi32>], vector<16xf32>,
      %add3A_1264 = arith.addf %scan3A_1253, %gather3A_1263 : vector<16xf32>
      %add3A_1265 = arith.constant 1 : i32
      %add3A_1266 = vector.broadcast %add3A_1265 : i32 to vector<16xi32>
      %add3A_1267 = arith.addi %scan3A_1254, %add3A_1266 : vector<16xi32>
      %add3A_1268 = arith.constant 1 : i32
      %add3A_1269 = vector.broadcast %add3A_1268 : i32 to vector<16xi32>
      %add3A_1270 = arith.addi %scan3A_1255, %add3A_1269 : vector<16xi32>
      %add3A_1271 = arith.constant 1 : i32
      %add3A_1272 = vector.broadcast %add3A_1271 : i32 to vector<16xi32>
      %add3A_1273 = arith.addi %scan3A_1256, %add3A_1272 : vector<16xi32>
      %add3A_1274 = arith.constant 1 : i32
      %add3A_1275 = vector.broadcast %add3A_1274 : i32 to vector<16xi32>
      %add3A_1276 = arith.addi %scan3A_1257, %add3A_1275 : vector<16xi32>
      scf.yield %add3A_1258, %add3A_1260, %add3A_1262, %add3A_1264, %add3A_1267, %add3A_1270, %add3A_1273, %add3A_1276 : vector<16xf32>, vector<16xf32>, vector<16xf32>, vector<16xf32>, vector<16xi32>, vector<16xi32>, vector<16xi32>, vector<16xi32>
    }
    %scan3A_598 = arith.constant 100 : i32
    %get3A_599 = arith.constant 0 : index
    %get3A_600 = tpu.vector_load %arg9[%get3A_599] {strides = array<i32>} : memref<16xf32, #tpu.memory_space<vmem>>, vector<16xf32>,
    %add3A_601 = arith.addf %scan3A_597#0, %get3A_600 : vector<16xf32>
    %jit3A_602 = arith.constant -3.500000e+01 : f32
    %jit3A_603 = arith.constant 3.500000e+01 : f32
    %max3A_604 = vector.broadcast %jit3A_602 : f32 to vector<16xf32>
    %max3A_605 = arith.maximumf %max3A_604, %add3A_601 : vector<16xf32>
    %min3A_606 = vector.broadcast %jit3A_603 : f32 to vector<16xf32>
    %min3A_607 = arith.minimumf %min3A_606, %max3A_605 : vector<16xf32>
    %neg3A_608 = arith.constant 0.000000e+00 : f32
    %neg3A_609 = vector.broadcast %neg3A_608 : f32 to vector<16xf32>
    %neg3A_610 = arith.subf %neg3A_609, %min3A_607 : vector<16xf32>
    %exp3A_611 = math.exp %neg3A_610 : vector<16xf32>
    %add3A_612 = arith.constant 1.000000e+00 : f32
    %add3A_613 = vector.broadcast %add3A_612 : f32 to vector<16xf32>
    %add3A_614 = arith.addf %add3A_613, %exp3A_611 : vector<16xf32>
    %div3A_615 = arith.constant 1.000000e+00 : f32
    %div3A_616 = vector.broadcast %div3A_615 : f32 to vector<16xf32>
    %div3A_617 = arith.divf %div3A_616, %add3A_614 : vector<16xf32>
    %swap3A_618 = arith.constant 192 : index
    %swap3A_619 = tpu.vector_load %arg8[%swap3A_618] {strides = array<i32>} : memref<512xf32, #tpu.memory_space<vmem>>, vector<16xf32>,
    tpu.vector_store %arg8[%swap3A_618], %div3A_617 {strides = array<i32>} : memref<512xf32, #tpu.memory_space<vmem>>, vector<16xf32>,
    %add3A_620 = arith.addf %scan3A_597#1, %get3A_600 : vector<16xf32>
    %jit3A_621 = arith.constant -3.500000e+01 : f32
    %jit3A_622 = arith.constant 3.500000e+01 : f32
    %max3A_623 = vector.broadcast %jit3A_621 : f32 to vector<16xf32>
    %max3A_624 = arith.maximumf %max3A_623, %add3A_620 : vector<16xf32>
    %min3A_625 = vector.broadcast %jit3A_622 : f32 to vector<16xf32>
    %min3A_626 = arith.minimumf %min3A_625, %max3A_624 : vector<16xf32>
    %neg3A_627 = arith.constant 0.000000e+00 : f32
    %neg3A_628 = vector.broadcast %neg3A_627 : f32 to vector<16xf32>
    %neg3A_629 = arith.subf %neg3A_628, %min3A_626 : vector<16xf32>
    %exp3A_630 = math.exp %neg3A_629 : vector<16xf32>
    %add3A_631 = arith.constant 1.000000e+00 : f32
    %add3A_632 = vector.broadcast %add3A_631 : f32 to vector<16xf32>
    %add3A_633 = arith.addf %add3A_632, %exp3A_630 : vector<16xf32>
    %div3A_634 = arith.constant 1.000000e+00 : f32
    %div3A_635 = vector.broadcast %div3A_634 : f32 to vector<16xf32>
    %div3A_636 = arith.divf %div3A_635, %add3A_633 : vector<16xf32>
    %swap3A_637 = arith.constant 208 : index
    %swap3A_638 = tpu.vector_load %arg8[%swap3A_637] {strides = array<i32>} : memref<512xf32, #tpu.memory_space<vmem>>, vector<16xf32>,
    tpu.vector_store %arg8[%swap3A_637], %div3A_636 {strides = array<i32>} : memref<512xf32, #tpu.memory_space<vmem>>, vector<16xf32>,
    %add3A_639 = arith.addf %scan3A_597#2, %get3A_600 : vector<16xf32>
    %jit3A_640 = arith.constant -3.500000e+01 : f32
    %jit3A_641 = arith.constant 3.500000e+01 : f32
    %max3A_642 = vector.broadcast %jit3A_640 : f32 to vector<16xf32>
    %max3A_643 = arith.maximumf %max3A_642, %add3A_639 : vector<16xf32>
    %min3A_644 = vector.broadcast %jit3A_641 : f32 to vector<16xf32>
    %min3A_645 = arith.minimumf %min3A_644, %max3A_643 : vector<16xf32>
    %neg3A_646 = arith.constant 0.000000e+00 : f32
    %neg3A_647 = vector.broadcast %neg3A_646 : f32 to vector<16xf32>
    %neg3A_648 = arith.subf %neg3A_647, %min3A_645 : vector<16xf32>
    %exp3A_649 = math.exp %neg3A_648 : vector<16xf32>
    %add3A_650 = arith.constant 1.000000e+00 : f32
    %add3A_651 = vector.broadcast %add3A_650 : f32 to vector<16xf32>
    %add3A_652 = arith.addf %add3A_651, %exp3A_649 : vector<16xf32>
    %div3A_653 = arith.constant 1.000000e+00 : f32
    %div3A_654 = vector.broadcast %div3A_653 : f32 to vector<16xf32>
    %div3A_655 = arith.divf %div3A_654, %add3A_652 : vector<16xf32>
    %swap3A_656 = arith.constant 224 : index
    %swap3A_657 = tpu.vector_load %arg8[%swap3A_656] {strides = array<i32>} : memref<512xf32, #tpu.memory_space<vmem>>, vector<16xf32>,
    tpu.vector_store %arg8[%swap3A_656], %div3A_655 {strides = array<i32>} : memref<512xf32, #tpu.memory_space<vmem>>, vector<16xf32>,
    %add3A_658 = arith.addf %scan3A_597#3, %get3A_600 : vector<16xf32>
    %jit3A_659 = arith.constant -3.500000e+01 : f32
    %jit3A_660 = arith.constant 3.500000e+01 : f32
    %max3A_661 = vector.broadcast %jit3A_659 : f32 to vector<16xf32>
    %max3A_662 = arith.maximumf %max3A_661, %add3A_658 : vector<16xf32>
    %min3A_663 = vector.broadcast %jit3A_660 : f32 to vector<16xf32>
    %min3A_664 = arith.minimumf %min3A_663, %max3A_662 : vector<16xf32>
    %neg3A_665 = arith.constant 0.000000e+00 : f32
    %neg3A_666 = vector.broadcast %neg3A_665 : f32 to vector<16xf32>
    %neg3A_667 = arith.subf %neg3A_666, %min3A_664 : vector<16xf32>
    %exp3A_668 = math.exp %neg3A_667 : vector<16xf32>
    %add3A_669 = arith.constant 1.000000e+00 : f32
    %add3A_670 = vector.broadcast %add3A_669 : f32 to vector<16xf32>
    %add3A_671 = arith.addf %add3A_670, %exp3A_668 : vector<16xf32>
    %div3A_672 = arith.constant 1.000000e+00 : f32
    %div3A_673 = vector.broadcast %div3A_672 : f32 to vector<16xf32>
    %div3A_674 = arith.divf %div3A_673, %add3A_671 : vector<16xf32>
    %swap3A_675 = arith.constant 240 : index
    %swap3A_676 = tpu.vector_load %arg8[%swap3A_675] {strides = array<i32>} : memref<512xf32, #tpu.memory_space<vmem>>, vector<16xf32>,
    tpu.vector_store %arg8[%swap3A_675], %div3A_674 {strides = array<i32>} : memref<512xf32, #tpu.memory_space<vmem>>, vector<16xf32>,
    %dma_wait3A_677 = arith.constant 6400 : i32
    %dma_wait3A_678 = tpu.memref_slice %arg6[%dma_wait3A_677] : memref<12800xi32, #tpu.memory_space<vmem>> -> memref<6400xi32, #tpu.memory_space<vmem>>
    %dma_wait3A_679 = arith.constant 0 : i32
    %dma_wait3A_680 = tpu.memref_slice %arg2[%add3A, %dma_wait3A_679] : memref<32x51200xi32, #tpu.memory_space<hbm>> -> memref<1x51200xi32, #tpu.memory_space<hbm>>
    %dma_wait3A_681 = tpu.memref_squeeze %dma_wait3A_680 : memref<1x51200xi32, #tpu.memory_space<hbm>> -> memref<51200xi32, #tpu.memory_space<hbm>>
    %dma_wait3A_682 = arith.constant 32000 : i32
    %dma_wait3A_683 = tpu.memref_slice %dma_wait3A_681[%dma_wait3A_682] : memref<51200xi32, #tpu.memory_space<hbm>> -> memref<6400xi32, #tpu.memory_space<hbm>>
    %dma_wait3A_684 = arith.constant 6400 : i32
    %dma_wait3A_685 = tpu.memref_slice %arg6[%dma_wait3A_684] : memref<12800xi32, #tpu.memory_space<vmem>> -> memref<6400xi32, #tpu.memory_space<vmem>>
    %dma_wait3A_686 = arith.constant 0 : i32
    %dma_wait3A_687 = tpu.memref_slice %arg2[%add3A, %dma_wait3A_686] : memref<32x51200xi32, #tpu.memory_space<hbm>> -> memref<1x51200xi32, #tpu.memory_space<hbm>>
    %dma_wait3A_688 = tpu.memref_squeeze %dma_wait3A_687 : memref<1x51200xi32, #tpu.memory_space<hbm>> -> memref<51200xi32, #tpu.memory_space<hbm>>
    %dma_wait3A_689 = arith.constant 32000 : i32
    %dma_wait3A_690 = tpu.memref_slice %dma_wait3A_688[%dma_wait3A_689] : memref<51200xi32, #tpu.memory_space<hbm>> -> memref<6400xi32, #tpu.memory_space<hbm>>
    tpu.wait_dma2 semaphore(%arg12 : memref<!tpu.dma_semaphore, #tpu.memory_space<semaphore_mem>>) src(%dma_wait3A_690 : memref<6400xi32, #tpu.memory_space<hbm>>) dst(%dma_wait3A_685 : memref<6400xi32, #tpu.memory_space<vmem>>)
    %dma_start3A_691 = arith.constant 6400 : i32
    %dma_start3A_692 = tpu.memref_slice %arg7[%dma_start3A_691] : memref<12800xf32, #tpu.memory_space<vmem>> -> memref<2048xf32, #tpu.memory_space<vmem>>
    %dma_start3A_693 = arith.constant 6400 : i32
    %dma_start3A_694 = tpu.memref_slice %arg6[%dma_start3A_693] : memref<12800xi32, #tpu.memory_space<vmem>> -> memref<2048xi32, #tpu.memory_space<vmem>>
    %dma_start3A_695 = arith.constant 0 : i32
    %dma_start3A_696 = tpu.memref_slice %arg3[%dma_start3A_695] : memref<1000000xf32, #tpu.memory_space<hbm>> -> memref<1000000xf32, #tpu.memory_space<hbm>>
    tpu.enqueue_indirect_dma source(%dma_start3A_696 : memref<1000000xf32, #tpu.memory_space<hbm>>) target(%dma_start3A_692 : memref<2048xf32, #tpu.memory_space<vmem>>) offsets(%dma_start3A_694 : memref<2048xi32, #tpu.memory_space<vmem>>) semaphore(%arg14 : memref<!tpu.dma_semaphore, #tpu.memory_space<semaphore_mem>>)
    %dma_start3A_697 = arith.constant 8448 : i32
    %dma_start3A_698 = tpu.memref_slice %arg7[%dma_start3A_697] : memref<12800xf32, #tpu.memory_space<vmem>> -> memref<4352xf32, #tpu.memory_space<vmem>>
    %dma_start3A_699 = arith.constant 8448 : i32
    %dma_start3A_700 = tpu.memref_slice %arg6[%dma_start3A_699] : memref<12800xi32, #tpu.memory_space<vmem>> -> memref<4352xi32, #tpu.memory_space<vmem>>
    %dma_start3A_701 = arith.constant 0 : i32
    %dma_start3A_702 = tpu.memref_slice %arg10[%dma_start3A_701] : memref<1000000xf32, #tpu.memory_space<vmem_shared>> -> memref<1000000xf32, #tpu.memory_space<vmem_shared>>
    tpu.enqueue_indirect_dma source(%dma_start3A_702 : memref<1000000xf32, #tpu.memory_space<vmem_shared>>) target(%dma_start3A_698 : memref<4352xf32, #tpu.memory_space<vmem>>) offsets(%dma_start3A_700 : memref<4352xi32, #tpu.memory_space<vmem>>) semaphore(%arg16 : memref<!tpu.dma_semaphore, #tpu.memory_space<semaphore_mem>>)
    %dma_wait3A_703 = arith.constant 0 : i32
    %dma_wait3A_704 = tpu.memref_slice %arg7[%dma_wait3A_703] : memref<12800xf32, #tpu.memory_space<vmem>> -> memref<2048xf32, #tpu.memory_space<vmem>>
    %dma_wait3A_705 = arith.constant 0 : i32
    %dma_wait3A_706 = tpu.memref_slice %arg6[%dma_wait3A_705] : memref<12800xi32, #tpu.memory_space<vmem>> -> memref<2048xi32, #tpu.memory_space<vmem>>
    %dma_wait3A_707 = arith.constant 0 : i32
    %dma_wait3A_708 = tpu.memref_slice %arg3[%dma_wait3A_707] : memref<1000000xf32, #tpu.memory_space<hbm>> -> memref<1000000xf32, #tpu.memory_space<hbm>>
    tpu.wait_indirect_dma semaphore(%arg13 : memref<!tpu.dma_semaphore, #tpu.memory_space<semaphore_mem>>) src(%dma_wait3A_708 : memref<1000000xf32, #tpu.memory_space<hbm>>) dst(%dma_wait3A_704 : memref<2048xf32, #tpu.memory_space<vmem>>)
    %dma_wait3A_709 = arith.constant 2048 : i32
    %dma_wait3A_710 = tpu.memref_slice %arg7[%dma_wait3A_709] : memref<12800xf32, #tpu.memory_space<vmem>> -> memref<4352xf32, #tpu.memory_space<vmem>>
    %dma_wait3A_711 = arith.constant 2048 : i32
    %dma_wait3A_712 = tpu.memref_slice %arg6[%dma_wait3A_711] : memref<12800xi32, #tpu.memory_space<vmem>> -> memref<4352xi32, #tpu.memory_space<vmem>>
    %dma_wait3A_713 = arith.constant 0 : i32
    %dma_wait3A_714 = tpu.memref_slice %arg10[%dma_wait3A_713] : memref<1000000xf32, #tpu.memory_space<vmem_shared>> -> memref<1000000xf32, #tpu.memory_space<vmem_shared>>
    tpu.wait_indirect_dma semaphore(%arg15 : memref<!tpu.dma_semaphore, #tpu.memory_space<semaphore_mem>>) src(%dma_wait3A_714 : memref<1000000xf32, #tpu.memory_space<vmem_shared>>) dst(%dma_wait3A_710 : memref<4352xf32, #tpu.memory_space<vmem>>)
    %dma_start3A_715 = arith.constant 0 : i32
    %dma_start3A_716 = tpu.memref_slice %arg6[%dma_start3A_715] : memref<12800xi32, #tpu.memory_space<vmem>> -> memref<6400xi32, #tpu.memory_space<vmem>>
    %dma_start3A_717 = arith.constant 0 : i32
    %dma_start3A_718 = tpu.memref_slice %arg2[%add3A, %dma_start3A_717] : memref<32x51200xi32, #tpu.memory_space<hbm>> -> memref<1x51200xi32, #tpu.memory_space<hbm>>
    %dma_start3A_719 = tpu.memref_squeeze %dma_start3A_718 : memref<1x51200xi32, #tpu.memory_space<hbm>> -> memref<51200xi32, #tpu.memory_space<hbm>>
    %dma_start3A_720 = arith.constant 38400 : i32
    %dma_start3A_721 = tpu.memref_slice %dma_start3A_719[%dma_start3A_720] : memref<51200xi32, #tpu.memory_space<hbm>> -> memref<6400xi32, #tpu.memory_space<hbm>>
    %dma_start3A_722 = arith.constant 0 : i32
    %dma_start3A_723 = tpu.memref_slice %arg6[%dma_start3A_722] : memref<12800xi32, #tpu.memory_space<vmem>> -> memref<6400xi32, #tpu.memory_space<vmem>>
    %dma_start3A_724 = arith.constant 0 : i32
    %dma_start3A_725 = tpu.memref_slice %arg2[%add3A, %dma_start3A_724] : memref<32x51200xi32, #tpu.memory_space<hbm>> -> memref<1x51200xi32, #tpu.memory_space<hbm>>
    %dma_start3A_726 = tpu.memref_squeeze %dma_start3A_725 : memref<1x51200xi32, #tpu.memory_space<hbm>> -> memref<51200xi32, #tpu.memory_space<hbm>>
    %dma_start3A_727 = arith.constant 38400 : i32
    %dma_start3A_728 = tpu.memref_slice %dma_start3A_726[%dma_start3A_727] : memref<51200xi32, #tpu.memory_space<hbm>> -> memref<6400xi32, #tpu.memory_space<hbm>>
    tpu.enqueue_dma source(%dma_start3A_728 : memref<6400xi32, #tpu.memory_space<hbm>>) target(%dma_start3A_723 : memref<6400xi32, #tpu.memory_space<vmem>>) target_semaphore(%arg11 : memref<!tpu.dma_semaphore, #tpu.memory_space<semaphore_mem>>)
    %broadcast_in_dim3A_729 = arith.constant 0.000000e+00 : f32
    %broadcast_in_dim3A_730 = vector.broadcast %broadcast_in_dim3A_729 : f32 to vector<16xf32>
    %broadcast_in_dim3A_731 = arith.constant 0.000000e+00 : f32
    %broadcast_in_dim3A_732 = vector.broadcast %broadcast_in_dim3A_731 : f32 to vector<16xf32>
    %broadcast_in_dim3A_733 = arith.constant 0.000000e+00 : f32
    %broadcast_in_dim3A_734 = vector.broadcast %broadcast_in_dim3A_733 : f32 to vector<16xf32>
    %broadcast_in_dim3A_735 = arith.constant 0.000000e+00 : f32
    %broadcast_in_dim3A_736 = vector.broadcast %broadcast_in_dim3A_735 : f32 to vector<16xf32>
    %add3A_737 = arith.constant 0 : i32
    %add3A_738 = vector.broadcast %add3A_737 : i32 to vector<16xi32>
    %add3A_739 = arith.addi %mul3A_5, %add3A_738 : vector<16xi32>
    %add3A_740 = arith.constant 1600 : i32
    %add3A_741 = vector.broadcast %add3A_740 : i32 to vector<16xi32>
    %add3A_742 = arith.addi %mul3A_5, %add3A_741 : vector<16xi32>
    %add3A_743 = arith.constant 3200 : i32
    %add3A_744 = vector.broadcast %add3A_743 : i32 to vector<16xi32>
    %add3A_745 = arith.addi %mul3A_5, %add3A_744 : vector<16xi32>
    %add3A_746 = arith.constant 4800 : i32
    %add3A_747 = vector.broadcast %add3A_746 : i32 to vector<16xi32>
    %add3A_748 = arith.addi %mul3A_5, %add3A_747 : vector<16xi32>
    %scan3A_749 = arith.constant 0 : i32
    %scan3A_750 = arith.constant 100 : i32
    %scan3A_751 = arith.addi %scan3A_749, %scan3A_750 : i32
    %scan3A_752 = arith.constant 1 : i32
    %scan3A_753:8 = scf.for %scan3A_1249 = %scan3A_749 to %scan3A_751 step %scan3A_752 iter_args(%scan3A_1250 = %broadcast_in_dim3A_730, %scan3A_1251 = %broadcast_in_dim3A_732, %scan3A_1252 = %broadcast_in_dim3A_734, %scan3A_1253 = %broadcast_in_dim3A_736, %scan3A_1254 = %add3A_739, %scan3A_1255 = %add3A_742, %scan3A_1256 = %add3A_745, %scan3A_1257 = %add3A_748) -> (vector<16xf32>, vector<16xf32>, vector<16xf32>, vector<16xf32>, vector<16xi32>, vector<16xi32>, vector<16xi32>, vector<16xi32>)  : i32 {
      %gather3A = tpu.vector_load_idx %arg7[%scan3A_1254] : memref<12800xf32, #tpu.memory_space<vmem>>[vector<16xi32>], vector<16xf32>,
      %add3A_1258 = arith.addf %scan3A_1250, %gather3A : vector<16xf32>
      %gather3A_1259 = tpu.vector_load_idx %arg7[%scan3A_1255] : memref<12800xf32, #tpu.memory_space<vmem>>[vector<16xi32>], vector<16xf32>,
      %add3A_1260 = arith.addf %scan3A_1251, %gather3A_1259 : vector<16xf32>
      %gather3A_1261 = tpu.vector_load_idx %arg7[%scan3A_1256] : memref<12800xf32, #tpu.memory_space<vmem>>[vector<16xi32>], vector<16xf32>,
      %add3A_1262 = arith.addf %scan3A_1252, %gather3A_1261 : vector<16xf32>
      %gather3A_1263 = tpu.vector_load_idx %arg7[%scan3A_1257] : memref<12800xf32, #tpu.memory_space<vmem>>[vector<16xi32>], vector<16xf32>,
      %add3A_1264 = arith.addf %scan3A_1253, %gather3A_1263 : vector<16xf32>
      %add3A_1265 = arith.constant 1 : i32
      %add3A_1266 = vector.broadcast %add3A_1265 : i32 to vector<16xi32>
      %add3A_1267 = arith.addi %scan3A_1254, %add3A_1266 : vector<16xi32>
      %add3A_1268 = arith.constant 1 : i32
      %add3A_1269 = vector.broadcast %add3A_1268 : i32 to vector<16xi32>
      %add3A_1270 = arith.addi %scan3A_1255, %add3A_1269 : vector<16xi32>
      %add3A_1271 = arith.constant 1 : i32
      %add3A_1272 = vector.broadcast %add3A_1271 : i32 to vector<16xi32>
      %add3A_1273 = arith.addi %scan3A_1256, %add3A_1272 : vector<16xi32>
      %add3A_1274 = arith.constant 1 : i32
      %add3A_1275 = vector.broadcast %add3A_1274 : i32 to vector<16xi32>
      %add3A_1276 = arith.addi %scan3A_1257, %add3A_1275 : vector<16xi32>
      scf.yield %add3A_1258, %add3A_1260, %add3A_1262, %add3A_1264, %add3A_1267, %add3A_1270, %add3A_1273, %add3A_1276 : vector<16xf32>, vector<16xf32>, vector<16xf32>, vector<16xf32>, vector<16xi32>, vector<16xi32>, vector<16xi32>, vector<16xi32>
    }
    %scan3A_754 = arith.constant 100 : i32
    %get3A_755 = arith.constant 0 : index
    %get3A_756 = tpu.vector_load %arg9[%get3A_755] {strides = array<i32>} : memref<16xf32, #tpu.memory_space<vmem>>, vector<16xf32>,
    %add3A_757 = arith.addf %scan3A_753#0, %get3A_756 : vector<16xf32>
    %jit3A_758 = arith.constant -3.500000e+01 : f32
    %jit3A_759 = arith.constant 3.500000e+01 : f32
    %max3A_760 = vector.broadcast %jit3A_758 : f32 to vector<16xf32>
    %max3A_761 = arith.maximumf %max3A_760, %add3A_757 : vector<16xf32>
    %min3A_762 = vector.broadcast %jit3A_759 : f32 to vector<16xf32>
    %min3A_763 = arith.minimumf %min3A_762, %max3A_761 : vector<16xf32>
    %neg3A_764 = arith.constant 0.000000e+00 : f32
    %neg3A_765 = vector.broadcast %neg3A_764 : f32 to vector<16xf32>
    %neg3A_766 = arith.subf %neg3A_765, %min3A_763 : vector<16xf32>
    %exp3A_767 = math.exp %neg3A_766 : vector<16xf32>
    %add3A_768 = arith.constant 1.000000e+00 : f32
    %add3A_769 = vector.broadcast %add3A_768 : f32 to vector<16xf32>
    %add3A_770 = arith.addf %add3A_769, %exp3A_767 : vector<16xf32>
    %div3A_771 = arith.constant 1.000000e+00 : f32
    %div3A_772 = vector.broadcast %div3A_771 : f32 to vector<16xf32>
    %div3A_773 = arith.divf %div3A_772, %add3A_770 : vector<16xf32>
    %swap3A_774 = arith.constant 256 : index
    %swap3A_775 = tpu.vector_load %arg8[%swap3A_774] {strides = array<i32>} : memref<512xf32, #tpu.memory_space<vmem>>, vector<16xf32>,
    tpu.vector_store %arg8[%swap3A_774], %div3A_773 {strides = array<i32>} : memref<512xf32, #tpu.memory_space<vmem>>, vector<16xf32>,
    %add3A_776 = arith.addf %scan3A_753#1, %get3A_756 : vector<16xf32>
    %jit3A_777 = arith.constant -3.500000e+01 : f32
    %jit3A_778 = arith.constant 3.500000e+01 : f32
    %max3A_779 = vector.broadcast %jit3A_777 : f32 to vector<16xf32>
    %max3A_780 = arith.maximumf %max3A_779, %add3A_776 : vector<16xf32>
    %min3A_781 = vector.broadcast %jit3A_778 : f32 to vector<16xf32>
    %min3A_782 = arith.minimumf %min3A_781, %max3A_780 : vector<16xf32>
    %neg3A_783 = arith.constant 0.000000e+00 : f32
    %neg3A_784 = vector.broadcast %neg3A_783 : f32 to vector<16xf32>
    %neg3A_785 = arith.subf %neg3A_784, %min3A_782 : vector<16xf32>
    %exp3A_786 = math.exp %neg3A_785 : vector<16xf32>
    %add3A_787 = arith.constant 1.000000e+00 : f32
    %add3A_788 = vector.broadcast %add3A_787 : f32 to vector<16xf32>
    %add3A_789 = arith.addf %add3A_788, %exp3A_786 : vector<16xf32>
    %div3A_790 = arith.constant 1.000000e+00 : f32
    %div3A_791 = vector.broadcast %div3A_790 : f32 to vector<16xf32>
    %div3A_792 = arith.divf %div3A_791, %add3A_789 : vector<16xf32>
    %swap3A_793 = arith.constant 272 : index
    %swap3A_794 = tpu.vector_load %arg8[%swap3A_793] {strides = array<i32>} : memref<512xf32, #tpu.memory_space<vmem>>, vector<16xf32>,
    tpu.vector_store %arg8[%swap3A_793], %div3A_792 {strides = array<i32>} : memref<512xf32, #tpu.memory_space<vmem>>, vector<16xf32>,
    %add3A_795 = arith.addf %scan3A_753#2, %get3A_756 : vector<16xf32>
    %jit3A_796 = arith.constant -3.500000e+01 : f32
    %jit3A_797 = arith.constant 3.500000e+01 : f32
    %max3A_798 = vector.broadcast %jit3A_796 : f32 to vector<16xf32>
    %max3A_799 = arith.maximumf %max3A_798, %add3A_795 : vector<16xf32>
    %min3A_800 = vector.broadcast %jit3A_797 : f32 to vector<16xf32>
    %min3A_801 = arith.minimumf %min3A_800, %max3A_799 : vector<16xf32>
    %neg3A_802 = arith.constant 0.000000e+00 : f32
    %neg3A_803 = vector.broadcast %neg3A_802 : f32 to vector<16xf32>
    %neg3A_804 = arith.subf %neg3A_803, %min3A_801 : vector<16xf32>
    %exp3A_805 = math.exp %neg3A_804 : vector<16xf32>
    %add3A_806 = arith.constant 1.000000e+00 : f32
    %add3A_807 = vector.broadcast %add3A_806 : f32 to vector<16xf32>
    %add3A_808 = arith.addf %add3A_807, %exp3A_805 : vector<16xf32>
    %div3A_809 = arith.constant 1.000000e+00 : f32
    %div3A_810 = vector.broadcast %div3A_809 : f32 to vector<16xf32>
    %div3A_811 = arith.divf %div3A_810, %add3A_808 : vector<16xf32>
    %swap3A_812 = arith.constant 288 : index
    %swap3A_813 = tpu.vector_load %arg8[%swap3A_812] {strides = array<i32>} : memref<512xf32, #tpu.memory_space<vmem>>, vector<16xf32>,
    tpu.vector_store %arg8[%swap3A_812], %div3A_811 {strides = array<i32>} : memref<512xf32, #tpu.memory_space<vmem>>, vector<16xf32>,
    %add3A_814 = arith.addf %scan3A_753#3, %get3A_756 : vector<16xf32>
    %jit3A_815 = arith.constant -3.500000e+01 : f32
    %jit3A_816 = arith.constant 3.500000e+01 : f32
    %max3A_817 = vector.broadcast %jit3A_815 : f32 to vector<16xf32>
    %max3A_818 = arith.maximumf %max3A_817, %add3A_814 : vector<16xf32>
    %min3A_819 = vector.broadcast %jit3A_816 : f32 to vector<16xf32>
    %min3A_820 = arith.minimumf %min3A_819, %max3A_818 : vector<16xf32>
    %neg3A_821 = arith.constant 0.000000e+00 : f32
    %neg3A_822 = vector.broadcast %neg3A_821 : f32 to vector<16xf32>
    %neg3A_823 = arith.subf %neg3A_822, %min3A_820 : vector<16xf32>
    %exp3A_824 = math.exp %neg3A_823 : vector<16xf32>
    %add3A_825 = arith.constant 1.000000e+00 : f32
    %add3A_826 = vector.broadcast %add3A_825 : f32 to vector<16xf32>
    %add3A_827 = arith.addf %add3A_826, %exp3A_824 : vector<16xf32>
    %div3A_828 = arith.constant 1.000000e+00 : f32
    %div3A_829 = vector.broadcast %div3A_828 : f32 to vector<16xf32>
    %div3A_830 = arith.divf %div3A_829, %add3A_827 : vector<16xf32>
    %swap3A_831 = arith.constant 304 : index
    %swap3A_832 = tpu.vector_load %arg8[%swap3A_831] {strides = array<i32>} : memref<512xf32, #tpu.memory_space<vmem>>, vector<16xf32>,
    tpu.vector_store %arg8[%swap3A_831], %div3A_830 {strides = array<i32>} : memref<512xf32, #tpu.memory_space<vmem>>, vector<16xf32>,
    %dma_wait3A_833 = arith.constant 0 : i32
    %dma_wait3A_834 = tpu.memref_slice %arg6[%dma_wait3A_833] : memref<12800xi32, #tpu.memory_space<vmem>> -> memref<6400xi32, #tpu.memory_space<vmem>>
    %dma_wait3A_835 = arith.constant 0 : i32
    %dma_wait3A_836 = tpu.memref_slice %arg2[%add3A, %dma_wait3A_835] : memref<32x51200xi32, #tpu.memory_space<hbm>> -> memref<1x51200xi32, #tpu.memory_space<hbm>>
    %dma_wait3A_837 = tpu.memref_squeeze %dma_wait3A_836 : memref<1x51200xi32, #tpu.memory_space<hbm>> -> memref<51200xi32, #tpu.memory_space<hbm>>
    %dma_wait3A_838 = arith.constant 38400 : i32
    %dma_wait3A_839 = tpu.memref_slice %dma_wait3A_837[%dma_wait3A_838] : memref<51200xi32, #tpu.memory_space<hbm>> -> memref<6400xi32, #tpu.memory_space<hbm>>
    %dma_wait3A_840 = arith.constant 0 : i32
    %dma_wait3A_841 = tpu.memref_slice %arg6[%dma_wait3A_840] : memref<12800xi32, #tpu.memory_space<vmem>> -> memref<6400xi32, #tpu.memory_space<vmem>>
    %dma_wait3A_842 = arith.constant 0 : i32
    %dma_wait3A_843 = tpu.memref_slice %arg2[%add3A, %dma_wait3A_842] : memref<32x51200xi32, #tpu.memory_space<hbm>> -> memref<1x51200xi32, #tpu.memory_space<hbm>>
    %dma_wait3A_844 = tpu.memref_squeeze %dma_wait3A_843 : memref<1x51200xi32, #tpu.memory_space<hbm>> -> memref<51200xi32, #tpu.memory_space<hbm>>
    %dma_wait3A_845 = arith.constant 38400 : i32
    %dma_wait3A_846 = tpu.memref_slice %dma_wait3A_844[%dma_wait3A_845] : memref<51200xi32, #tpu.memory_space<hbm>> -> memref<6400xi32, #tpu.memory_space<hbm>>
    tpu.wait_dma2 semaphore(%arg11 : memref<!tpu.dma_semaphore, #tpu.memory_space<semaphore_mem>>) src(%dma_wait3A_846 : memref<6400xi32, #tpu.memory_space<hbm>>) dst(%dma_wait3A_841 : memref<6400xi32, #tpu.memory_space<vmem>>)
    %dma_start3A_847 = arith.constant 0 : i32
    %dma_start3A_848 = tpu.memref_slice %arg7[%dma_start3A_847] : memref<12800xf32, #tpu.memory_space<vmem>> -> memref<2048xf32, #tpu.memory_space<vmem>>
    %dma_start3A_849 = arith.constant 0 : i32
    %dma_start3A_850 = tpu.memref_slice %arg6[%dma_start3A_849] : memref<12800xi32, #tpu.memory_space<vmem>> -> memref<2048xi32, #tpu.memory_space<vmem>>
    %dma_start3A_851 = arith.constant 0 : i32
    %dma_start3A_852 = tpu.memref_slice %arg3[%dma_start3A_851] : memref<1000000xf32, #tpu.memory_space<hbm>> -> memref<1000000xf32, #tpu.memory_space<hbm>>
    tpu.enqueue_indirect_dma source(%dma_start3A_852 : memref<1000000xf32, #tpu.memory_space<hbm>>) target(%dma_start3A_848 : memref<2048xf32, #tpu.memory_space<vmem>>) offsets(%dma_start3A_850 : memref<2048xi32, #tpu.memory_space<vmem>>) semaphore(%arg13 : memref<!tpu.dma_semaphore, #tpu.memory_space<semaphore_mem>>)
    %dma_start3A_853 = arith.constant 2048 : i32
    %dma_start3A_854 = tpu.memref_slice %arg7[%dma_start3A_853] : memref<12800xf32, #tpu.memory_space<vmem>> -> memref<4352xf32, #tpu.memory_space<vmem>>
    %dma_start3A_855 = arith.constant 2048 : i32
    %dma_start3A_856 = tpu.memref_slice %arg6[%dma_start3A_855] : memref<12800xi32, #tpu.memory_space<vmem>> -> memref<4352xi32, #tpu.memory_space<vmem>>
    %dma_start3A_857 = arith.constant 0 : i32
    %dma_start3A_858 = tpu.memref_slice %arg10[%dma_start3A_857] : memref<1000000xf32, #tpu.memory_space<vmem_shared>> -> memref<1000000xf32, #tpu.memory_space<vmem_shared>>
    tpu.enqueue_indirect_dma source(%dma_start3A_858 : memref<1000000xf32, #tpu.memory_space<vmem_shared>>) target(%dma_start3A_854 : memref<4352xf32, #tpu.memory_space<vmem>>) offsets(%dma_start3A_856 : memref<4352xi32, #tpu.memory_space<vmem>>) semaphore(%arg15 : memref<!tpu.dma_semaphore, #tpu.memory_space<semaphore_mem>>)
    %dma_wait3A_859 = arith.constant 6400 : i32
    %dma_wait3A_860 = tpu.memref_slice %arg7[%dma_wait3A_859] : memref<12800xf32, #tpu.memory_space<vmem>> -> memref<2048xf32, #tpu.memory_space<vmem>>
    %dma_wait3A_861 = arith.constant 6400 : i32
    %dma_wait3A_862 = tpu.memref_slice %arg6[%dma_wait3A_861] : memref<12800xi32, #tpu.memory_space<vmem>> -> memref<2048xi32, #tpu.memory_space<vmem>>
    %dma_wait3A_863 = arith.constant 0 : i32
    %dma_wait3A_864 = tpu.memref_slice %arg3[%dma_wait3A_863] : memref<1000000xf32, #tpu.memory_space<hbm>> -> memref<1000000xf32, #tpu.memory_space<hbm>>
    tpu.wait_indirect_dma semaphore(%arg14 : memref<!tpu.dma_semaphore, #tpu.memory_space<semaphore_mem>>) src(%dma_wait3A_864 : memref<1000000xf32, #tpu.memory_space<hbm>>) dst(%dma_wait3A_860 : memref<2048xf32, #tpu.memory_space<vmem>>)
    %dma_wait3A_865 = arith.constant 8448 : i32
    %dma_wait3A_866 = tpu.memref_slice %arg7[%dma_wait3A_865] : memref<12800xf32, #tpu.memory_space<vmem>> -> memref<4352xf32, #tpu.memory_space<vmem>>
    %dma_wait3A_867 = arith.constant 8448 : i32
    %dma_wait3A_868 = tpu.memref_slice %arg6[%dma_wait3A_867] : memref<12800xi32, #tpu.memory_space<vmem>> -> memref<4352xi32, #tpu.memory_space<vmem>>
    %dma_wait3A_869 = arith.constant 0 : i32
    %dma_wait3A_870 = tpu.memref_slice %arg10[%dma_wait3A_869] : memref<1000000xf32, #tpu.memory_space<vmem_shared>> -> memref<1000000xf32, #tpu.memory_space<vmem_shared>>
    tpu.wait_indirect_dma semaphore(%arg16 : memref<!tpu.dma_semaphore, #tpu.memory_space<semaphore_mem>>) src(%dma_wait3A_870 : memref<1000000xf32, #tpu.memory_space<vmem_shared>>) dst(%dma_wait3A_866 : memref<4352xf32, #tpu.memory_space<vmem>>)
    %dma_start3A_871 = arith.constant 6400 : i32
    %dma_start3A_872 = tpu.memref_slice %arg6[%dma_start3A_871] : memref<12800xi32, #tpu.memory_space<vmem>> -> memref<6400xi32, #tpu.memory_space<vmem>>
    %dma_start3A_873 = arith.constant 0 : i32
    %dma_start3A_874 = tpu.memref_slice %arg2[%add3A, %dma_start3A_873] : memref<32x51200xi32, #tpu.memory_space<hbm>> -> memref<1x51200xi32, #tpu.memory_space<hbm>>
    %dma_start3A_875 = tpu.memref_squeeze %dma_start3A_874 : memref<1x51200xi32, #tpu.memory_space<hbm>> -> memref<51200xi32, #tpu.memory_space<hbm>>
    %dma_start3A_876 = arith.constant 44800 : i32
    %dma_start3A_877 = tpu.memref_slice %dma_start3A_875[%dma_start3A_876] : memref<51200xi32, #tpu.memory_space<hbm>> -> memref<6400xi32, #tpu.memory_space<hbm>>
    %dma_start3A_878 = arith.constant 6400 : i32
    %dma_start3A_879 = tpu.memref_slice %arg6[%dma_start3A_878] : memref<12800xi32, #tpu.memory_space<vmem>> -> memref<6400xi32, #tpu.memory_space<vmem>>
    %dma_start3A_880 = arith.constant 0 : i32
    %dma_start3A_881 = tpu.memref_slice %arg2[%add3A, %dma_start3A_880] : memref<32x51200xi32, #tpu.memory_space<hbm>> -> memref<1x51200xi32, #tpu.memory_space<hbm>>
    %dma_start3A_882 = tpu.memref_squeeze %dma_start3A_881 : memref<1x51200xi32, #tpu.memory_space<hbm>> -> memref<51200xi32, #tpu.memory_space<hbm>>
    %dma_start3A_883 = arith.constant 44800 : i32
    %dma_start3A_884 = tpu.memref_slice %dma_start3A_882[%dma_start3A_883] : memref<51200xi32, #tpu.memory_space<hbm>> -> memref<6400xi32, #tpu.memory_space<hbm>>
    tpu.enqueue_dma source(%dma_start3A_884 : memref<6400xi32, #tpu.memory_space<hbm>>) target(%dma_start3A_879 : memref<6400xi32, #tpu.memory_space<vmem>>) target_semaphore(%arg12 : memref<!tpu.dma_semaphore, #tpu.memory_space<semaphore_mem>>)
    %broadcast_in_dim3A_885 = arith.constant 0.000000e+00 : f32
    %broadcast_in_dim3A_886 = vector.broadcast %broadcast_in_dim3A_885 : f32 to vector<16xf32>
    %broadcast_in_dim3A_887 = arith.constant 0.000000e+00 : f32
    %broadcast_in_dim3A_888 = vector.broadcast %broadcast_in_dim3A_887 : f32 to vector<16xf32>
    %broadcast_in_dim3A_889 = arith.constant 0.000000e+00 : f32
    %broadcast_in_dim3A_890 = vector.broadcast %broadcast_in_dim3A_889 : f32 to vector<16xf32>
    %broadcast_in_dim3A_891 = arith.constant 0.000000e+00 : f32
    %broadcast_in_dim3A_892 = vector.broadcast %broadcast_in_dim3A_891 : f32 to vector<16xf32>
    %add3A_893 = arith.constant 6400 : i32
    %add3A_894 = vector.broadcast %add3A_893 : i32 to vector<16xi32>
    %add3A_895 = arith.addi %mul3A_5, %add3A_894 : vector<16xi32>
    %add3A_896 = arith.constant 8000 : i32
    %add3A_897 = vector.broadcast %add3A_896 : i32 to vector<16xi32>
    %add3A_898 = arith.addi %mul3A_5, %add3A_897 : vector<16xi32>
    %add3A_899 = arith.constant 9600 : i32
    %add3A_900 = vector.broadcast %add3A_899 : i32 to vector<16xi32>
    %add3A_901 = arith.addi %mul3A_5, %add3A_900 : vector<16xi32>
    %add3A_902 = arith.constant 11200 : i32
    %add3A_903 = vector.broadcast %add3A_902 : i32 to vector<16xi32>
    %add3A_904 = arith.addi %mul3A_5, %add3A_903 : vector<16xi32>
    %scan3A_905 = arith.constant 0 : i32
    %scan3A_906 = arith.constant 100 : i32
    %scan3A_907 = arith.addi %scan3A_905, %scan3A_906 : i32
    %scan3A_908 = arith.constant 1 : i32
    %scan3A_909:8 = scf.for %scan3A_1249 = %scan3A_905 to %scan3A_907 step %scan3A_908 iter_args(%scan3A_1250 = %broadcast_in_dim3A_886, %scan3A_1251 = %broadcast_in_dim3A_888, %scan3A_1252 = %broadcast_in_dim3A_890, %scan3A_1253 = %broadcast_in_dim3A_892, %scan3A_1254 = %add3A_895, %scan3A_1255 = %add3A_898, %scan3A_1256 = %add3A_901, %scan3A_1257 = %add3A_904) -> (vector<16xf32>, vector<16xf32>, vector<16xf32>, vector<16xf32>, vector<16xi32>, vector<16xi32>, vector<16xi32>, vector<16xi32>)  : i32 {
      %gather3A = tpu.vector_load_idx %arg7[%scan3A_1254] : memref<12800xf32, #tpu.memory_space<vmem>>[vector<16xi32>], vector<16xf32>,
      %add3A_1258 = arith.addf %scan3A_1250, %gather3A : vector<16xf32>
      %gather3A_1259 = tpu.vector_load_idx %arg7[%scan3A_1255] : memref<12800xf32, #tpu.memory_space<vmem>>[vector<16xi32>], vector<16xf32>,
      %add3A_1260 = arith.addf %scan3A_1251, %gather3A_1259 : vector<16xf32>
      %gather3A_1261 = tpu.vector_load_idx %arg7[%scan3A_1256] : memref<12800xf32, #tpu.memory_space<vmem>>[vector<16xi32>], vector<16xf32>,
      %add3A_1262 = arith.addf %scan3A_1252, %gather3A_1261 : vector<16xf32>
      %gather3A_1263 = tpu.vector_load_idx %arg7[%scan3A_1257] : memref<12800xf32, #tpu.memory_space<vmem>>[vector<16xi32>], vector<16xf32>,
      %add3A_1264 = arith.addf %scan3A_1253, %gather3A_1263 : vector<16xf32>
      %add3A_1265 = arith.constant 1 : i32
      %add3A_1266 = vector.broadcast %add3A_1265 : i32 to vector<16xi32>
      %add3A_1267 = arith.addi %scan3A_1254, %add3A_1266 : vector<16xi32>
      %add3A_1268 = arith.constant 1 : i32
      %add3A_1269 = vector.broadcast %add3A_1268 : i32 to vector<16xi32>
      %add3A_1270 = arith.addi %scan3A_1255, %add3A_1269 : vector<16xi32>
      %add3A_1271 = arith.constant 1 : i32
      %add3A_1272 = vector.broadcast %add3A_1271 : i32 to vector<16xi32>
      %add3A_1273 = arith.addi %scan3A_1256, %add3A_1272 : vector<16xi32>
      %add3A_1274 = arith.constant 1 : i32
      %add3A_1275 = vector.broadcast %add3A_1274 : i32 to vector<16xi32>
      %add3A_1276 = arith.addi %scan3A_1257, %add3A_1275 : vector<16xi32>
      scf.yield %add3A_1258, %add3A_1260, %add3A_1262, %add3A_1264, %add3A_1267, %add3A_1270, %add3A_1273, %add3A_1276 : vector<16xf32>, vector<16xf32>, vector<16xf32>, vector<16xf32>, vector<16xi32>, vector<16xi32>, vector<16xi32>, vector<16xi32>
    }
    %scan3A_910 = arith.constant 100 : i32
    %get3A_911 = arith.constant 0 : index
    %get3A_912 = tpu.vector_load %arg9[%get3A_911] {strides = array<i32>} : memref<16xf32, #tpu.memory_space<vmem>>, vector<16xf32>,
    %add3A_913 = arith.addf %scan3A_909#0, %get3A_912 : vector<16xf32>
    %jit3A_914 = arith.constant -3.500000e+01 : f32
    %jit3A_915 = arith.constant 3.500000e+01 : f32
    %max3A_916 = vector.broadcast %jit3A_914 : f32 to vector<16xf32>
    %max3A_917 = arith.maximumf %max3A_916, %add3A_913 : vector<16xf32>
    %min3A_918 = vector.broadcast %jit3A_915 : f32 to vector<16xf32>
    %min3A_919 = arith.minimumf %min3A_918, %max3A_917 : vector<16xf32>
    %neg3A_920 = arith.constant 0.000000e+00 : f32
    %neg3A_921 = vector.broadcast %neg3A_920 : f32 to vector<16xf32>
    %neg3A_922 = arith.subf %neg3A_921, %min3A_919 : vector<16xf32>
    %exp3A_923 = math.exp %neg3A_922 : vector<16xf32>
    %add3A_924 = arith.constant 1.000000e+00 : f32
    %add3A_925 = vector.broadcast %add3A_924 : f32 to vector<16xf32>
    %add3A_926 = arith.addf %add3A_925, %exp3A_923 : vector<16xf32>
    %div3A_927 = arith.constant 1.000000e+00 : f32
    %div3A_928 = vector.broadcast %div3A_927 : f32 to vector<16xf32>
    %div3A_929 = arith.divf %div3A_928, %add3A_926 : vector<16xf32>
    %swap3A_930 = arith.constant 320 : index
    %swap3A_931 = tpu.vector_load %arg8[%swap3A_930] {strides = array<i32>} : memref<512xf32, #tpu.memory_space<vmem>>, vector<16xf32>,
    tpu.vector_store %arg8[%swap3A_930], %div3A_929 {strides = array<i32>} : memref<512xf32, #tpu.memory_space<vmem>>, vector<16xf32>,
    %add3A_932 = arith.addf %scan3A_909#1, %get3A_912 : vector<16xf32>
    %jit3A_933 = arith.constant -3.500000e+01 : f32
    %jit3A_934 = arith.constant 3.500000e+01 : f32
    %max3A_935 = vector.broadcast %jit3A_933 : f32 to vector<16xf32>
    %max3A_936 = arith.maximumf %max3A_935, %add3A_932 : vector<16xf32>
    %min3A_937 = vector.broadcast %jit3A_934 : f32 to vector<16xf32>
    %min3A_938 = arith.minimumf %min3A_937, %max3A_936 : vector<16xf32>
    %neg3A_939 = arith.constant 0.000000e+00 : f32
    %neg3A_940 = vector.broadcast %neg3A_939 : f32 to vector<16xf32>
    %neg3A_941 = arith.subf %neg3A_940, %min3A_938 : vector<16xf32>
    %exp3A_942 = math.exp %neg3A_941 : vector<16xf32>
    %add3A_943 = arith.constant 1.000000e+00 : f32
    %add3A_944 = vector.broadcast %add3A_943 : f32 to vector<16xf32>
    %add3A_945 = arith.addf %add3A_944, %exp3A_942 : vector<16xf32>
    %div3A_946 = arith.constant 1.000000e+00 : f32
    %div3A_947 = vector.broadcast %div3A_946 : f32 to vector<16xf32>
    %div3A_948 = arith.divf %div3A_947, %add3A_945 : vector<16xf32>
    %swap3A_949 = arith.constant 336 : index
    %swap3A_950 = tpu.vector_load %arg8[%swap3A_949] {strides = array<i32>} : memref<512xf32, #tpu.memory_space<vmem>>, vector<16xf32>,
    tpu.vector_store %arg8[%swap3A_949], %div3A_948 {strides = array<i32>} : memref<512xf32, #tpu.memory_space<vmem>>, vector<16xf32>,
    %add3A_951 = arith.addf %scan3A_909#2, %get3A_912 : vector<16xf32>
    %jit3A_952 = arith.constant -3.500000e+01 : f32
    %jit3A_953 = arith.constant 3.500000e+01 : f32
    %max3A_954 = vector.broadcast %jit3A_952 : f32 to vector<16xf32>
    %max3A_955 = arith.maximumf %max3A_954, %add3A_951 : vector<16xf32>
    %min3A_956 = vector.broadcast %jit3A_953 : f32 to vector<16xf32>
    %min3A_957 = arith.minimumf %min3A_956, %max3A_955 : vector<16xf32>
    %neg3A_958 = arith.constant 0.000000e+00 : f32
    %neg3A_959 = vector.broadcast %neg3A_958 : f32 to vector<16xf32>
    %neg3A_960 = arith.subf %neg3A_959, %min3A_957 : vector<16xf32>
    %exp3A_961 = math.exp %neg3A_960 : vector<16xf32>
    %add3A_962 = arith.constant 1.000000e+00 : f32
    %add3A_963 = vector.broadcast %add3A_962 : f32 to vector<16xf32>
    %add3A_964 = arith.addf %add3A_963, %exp3A_961 : vector<16xf32>
    %div3A_965 = arith.constant 1.000000e+00 : f32
    %div3A_966 = vector.broadcast %div3A_965 : f32 to vector<16xf32>
    %div3A_967 = arith.divf %div3A_966, %add3A_964 : vector<16xf32>
    %swap3A_968 = arith.constant 352 : index
    %swap3A_969 = tpu.vector_load %arg8[%swap3A_968] {strides = array<i32>} : memref<512xf32, #tpu.memory_space<vmem>>, vector<16xf32>,
    tpu.vector_store %arg8[%swap3A_968], %div3A_967 {strides = array<i32>} : memref<512xf32, #tpu.memory_space<vmem>>, vector<16xf32>,
    %add3A_970 = arith.addf %scan3A_909#3, %get3A_912 : vector<16xf32>
    %jit3A_971 = arith.constant -3.500000e+01 : f32
    %jit3A_972 = arith.constant 3.500000e+01 : f32
    %max3A_973 = vector.broadcast %jit3A_971 : f32 to vector<16xf32>
    %max3A_974 = arith.maximumf %max3A_973, %add3A_970 : vector<16xf32>
    %min3A_975 = vector.broadcast %jit3A_972 : f32 to vector<16xf32>
    %min3A_976 = arith.minimumf %min3A_975, %max3A_974 : vector<16xf32>
    %neg3A_977 = arith.constant 0.000000e+00 : f32
    %neg3A_978 = vector.broadcast %neg3A_977 : f32 to vector<16xf32>
    %neg3A_979 = arith.subf %neg3A_978, %min3A_976 : vector<16xf32>
    %exp3A_980 = math.exp %neg3A_979 : vector<16xf32>
    %add3A_981 = arith.constant 1.000000e+00 : f32
    %add3A_982 = vector.broadcast %add3A_981 : f32 to vector<16xf32>
    %add3A_983 = arith.addf %add3A_982, %exp3A_980 : vector<16xf32>
    %div3A_984 = arith.constant 1.000000e+00 : f32
    %div3A_985 = vector.broadcast %div3A_984 : f32 to vector<16xf32>
    %div3A_986 = arith.divf %div3A_985, %add3A_983 : vector<16xf32>
    %swap3A_987 = arith.constant 368 : index
    %swap3A_988 = tpu.vector_load %arg8[%swap3A_987] {strides = array<i32>} : memref<512xf32, #tpu.memory_space<vmem>>, vector<16xf32>,
    tpu.vector_store %arg8[%swap3A_987], %div3A_986 {strides = array<i32>} : memref<512xf32, #tpu.memory_space<vmem>>, vector<16xf32>,
    %dma_wait3A_989 = arith.constant 6400 : i32
    %dma_wait3A_990 = tpu.memref_slice %arg6[%dma_wait3A_989] : memref<12800xi32, #tpu.memory_space<vmem>> -> memref<6400xi32, #tpu.memory_space<vmem>>
    %dma_wait3A_991 = arith.constant 0 : i32
    %dma_wait3A_992 = tpu.memref_slice %arg2[%add3A, %dma_wait3A_991] : memref<32x51200xi32, #tpu.memory_space<hbm>> -> memref<1x51200xi32, #tpu.memory_space<hbm>>
    %dma_wait3A_993 = tpu.memref_squeeze %dma_wait3A_992 : memref<1x51200xi32, #tpu.memory_space<hbm>> -> memref<51200xi32, #tpu.memory_space<hbm>>
    %dma_wait3A_994 = arith.constant 44800 : i32
    %dma_wait3A_995 = tpu.memref_slice %dma_wait3A_993[%dma_wait3A_994] : memref<51200xi32, #tpu.memory_space<hbm>> -> memref<6400xi32, #tpu.memory_space<hbm>>
    %dma_wait3A_996 = arith.constant 6400 : i32
    %dma_wait3A_997 = tpu.memref_slice %arg6[%dma_wait3A_996] : memref<12800xi32, #tpu.memory_space<vmem>> -> memref<6400xi32, #tpu.memory_space<vmem>>
    %dma_wait3A_998 = arith.constant 0 : i32
    %dma_wait3A_999 = tpu.memref_slice %arg2[%add3A, %dma_wait3A_998] : memref<32x51200xi32, #tpu.memory_space<hbm>> -> memref<1x51200xi32, #tpu.memory_space<hbm>>
    %dma_wait3A_1000 = tpu.memref_squeeze %dma_wait3A_999 : memref<1x51200xi32, #tpu.memory_space<hbm>> -> memref<51200xi32, #tpu.memory_space<hbm>>
    %dma_wait3A_1001 = arith.constant 44800 : i32
    %dma_wait3A_1002 = tpu.memref_slice %dma_wait3A_1000[%dma_wait3A_1001] : memref<51200xi32, #tpu.memory_space<hbm>> -> memref<6400xi32, #tpu.memory_space<hbm>>
    tpu.wait_dma2 semaphore(%arg12 : memref<!tpu.dma_semaphore, #tpu.memory_space<semaphore_mem>>) src(%dma_wait3A_1002 : memref<6400xi32, #tpu.memory_space<hbm>>) dst(%dma_wait3A_997 : memref<6400xi32, #tpu.memory_space<vmem>>)
    %dma_start3A_1003 = arith.constant 6400 : i32
    %dma_start3A_1004 = tpu.memref_slice %arg7[%dma_start3A_1003] : memref<12800xf32, #tpu.memory_space<vmem>> -> memref<2048xf32, #tpu.memory_space<vmem>>
    %dma_start3A_1005 = arith.constant 6400 : i32
    %dma_start3A_1006 = tpu.memref_slice %arg6[%dma_start3A_1005] : memref<12800xi32, #tpu.memory_space<vmem>> -> memref<2048xi32, #tpu.memory_space<vmem>>
    %dma_start3A_1007 = arith.constant 0 : i32
    %dma_start3A_1008 = tpu.memref_slice %arg3[%dma_start3A_1007] : memref<1000000xf32, #tpu.memory_space<hbm>> -> memref<1000000xf32, #tpu.memory_space<hbm>>
    tpu.enqueue_indirect_dma source(%dma_start3A_1008 : memref<1000000xf32, #tpu.memory_space<hbm>>) target(%dma_start3A_1004 : memref<2048xf32, #tpu.memory_space<vmem>>) offsets(%dma_start3A_1006 : memref<2048xi32, #tpu.memory_space<vmem>>) semaphore(%arg14 : memref<!tpu.dma_semaphore, #tpu.memory_space<semaphore_mem>>)
    %dma_start3A_1009 = arith.constant 8448 : i32
    %dma_start3A_1010 = tpu.memref_slice %arg7[%dma_start3A_1009] : memref<12800xf32, #tpu.memory_space<vmem>> -> memref<4352xf32, #tpu.memory_space<vmem>>
    %dma_start3A_1011 = arith.constant 8448 : i32
    %dma_start3A_1012 = tpu.memref_slice %arg6[%dma_start3A_1011] : memref<12800xi32, #tpu.memory_space<vmem>> -> memref<4352xi32, #tpu.memory_space<vmem>>
    %dma_start3A_1013 = arith.constant 0 : i32
    %dma_start3A_1014 = tpu.memref_slice %arg10[%dma_start3A_1013] : memref<1000000xf32, #tpu.memory_space<vmem_shared>> -> memref<1000000xf32, #tpu.memory_space<vmem_shared>>
    tpu.enqueue_indirect_dma source(%dma_start3A_1014 : memref<1000000xf32, #tpu.memory_space<vmem_shared>>) target(%dma_start3A_1010 : memref<4352xf32, #tpu.memory_space<vmem>>) offsets(%dma_start3A_1012 : memref<4352xi32, #tpu.memory_space<vmem>>) semaphore(%arg16 : memref<!tpu.dma_semaphore, #tpu.memory_space<semaphore_mem>>)
    %dma_wait3A_1015 = arith.constant 0 : i32
    %dma_wait3A_1016 = tpu.memref_slice %arg7[%dma_wait3A_1015] : memref<12800xf32, #tpu.memory_space<vmem>> -> memref<2048xf32, #tpu.memory_space<vmem>>
    %dma_wait3A_1017 = arith.constant 0 : i32
    %dma_wait3A_1018 = tpu.memref_slice %arg6[%dma_wait3A_1017] : memref<12800xi32, #tpu.memory_space<vmem>> -> memref<2048xi32, #tpu.memory_space<vmem>>
    %dma_wait3A_1019 = arith.constant 0 : i32
    %dma_wait3A_1020 = tpu.memref_slice %arg3[%dma_wait3A_1019] : memref<1000000xf32, #tpu.memory_space<hbm>> -> memref<1000000xf32, #tpu.memory_space<hbm>>
    tpu.wait_indirect_dma semaphore(%arg13 : memref<!tpu.dma_semaphore, #tpu.memory_space<semaphore_mem>>) src(%dma_wait3A_1020 : memref<1000000xf32, #tpu.memory_space<hbm>>) dst(%dma_wait3A_1016 : memref<2048xf32, #tpu.memory_space<vmem>>)
    %dma_wait3A_1021 = arith.constant 2048 : i32
    %dma_wait3A_1022 = tpu.memref_slice %arg7[%dma_wait3A_1021] : memref<12800xf32, #tpu.memory_space<vmem>> -> memref<4352xf32, #tpu.memory_space<vmem>>
    %dma_wait3A_1023 = arith.constant 2048 : i32
    %dma_wait3A_1024 = tpu.memref_slice %arg6[%dma_wait3A_1023] : memref<12800xi32, #tpu.memory_space<vmem>> -> memref<4352xi32, #tpu.memory_space<vmem>>
    %dma_wait3A_1025 = arith.constant 0 : i32
    %dma_wait3A_1026 = tpu.memref_slice %arg10[%dma_wait3A_1025] : memref<1000000xf32, #tpu.memory_space<vmem_shared>> -> memref<1000000xf32, #tpu.memory_space<vmem_shared>>
    tpu.wait_indirect_dma semaphore(%arg15 : memref<!tpu.dma_semaphore, #tpu.memory_space<semaphore_mem>>) src(%dma_wait3A_1026 : memref<1000000xf32, #tpu.memory_space<vmem_shared>>) dst(%dma_wait3A_1022 : memref<4352xf32, #tpu.memory_space<vmem>>)
    %broadcast_in_dim3A_1027 = arith.constant 0.000000e+00 : f32
    %broadcast_in_dim3A_1028 = vector.broadcast %broadcast_in_dim3A_1027 : f32 to vector<16xf32>
    %broadcast_in_dim3A_1029 = arith.constant 0.000000e+00 : f32
    %broadcast_in_dim3A_1030 = vector.broadcast %broadcast_in_dim3A_1029 : f32 to vector<16xf32>
    %broadcast_in_dim3A_1031 = arith.constant 0.000000e+00 : f32
    %broadcast_in_dim3A_1032 = vector.broadcast %broadcast_in_dim3A_1031 : f32 to vector<16xf32>
    %broadcast_in_dim3A_1033 = arith.constant 0.000000e+00 : f32
    %broadcast_in_dim3A_1034 = vector.broadcast %broadcast_in_dim3A_1033 : f32 to vector<16xf32>
    %add3A_1035 = arith.constant 0 : i32
    %add3A_1036 = vector.broadcast %add3A_1035 : i32 to vector<16xi32>
    %add3A_1037 = arith.addi %mul3A_5, %add3A_1036 : vector<16xi32>
    %add3A_1038 = arith.constant 1600 : i32
    %add3A_1039 = vector.broadcast %add3A_1038 : i32 to vector<16xi32>
    %add3A_1040 = arith.addi %mul3A_5, %add3A_1039 : vector<16xi32>
    %add3A_1041 = arith.constant 3200 : i32
    %add3A_1042 = vector.broadcast %add3A_1041 : i32 to vector<16xi32>
    %add3A_1043 = arith.addi %mul3A_5, %add3A_1042 : vector<16xi32>
    %add3A_1044 = arith.constant 4800 : i32
    %add3A_1045 = vector.broadcast %add3A_1044 : i32 to vector<16xi32>
    %add3A_1046 = arith.addi %mul3A_5, %add3A_1045 : vector<16xi32>
    %scan3A_1047 = arith.constant 0 : i32
    %scan3A_1048 = arith.constant 100 : i32
    %scan3A_1049 = arith.addi %scan3A_1047, %scan3A_1048 : i32
    %scan3A_1050 = arith.constant 1 : i32
    %scan3A_1051:8 = scf.for %scan3A_1249 = %scan3A_1047 to %scan3A_1049 step %scan3A_1050 iter_args(%scan3A_1250 = %broadcast_in_dim3A_1028, %scan3A_1251 = %broadcast_in_dim3A_1030, %scan3A_1252 = %broadcast_in_dim3A_1032, %scan3A_1253 = %broadcast_in_dim3A_1034, %scan3A_1254 = %add3A_1037, %scan3A_1255 = %add3A_1040, %scan3A_1256 = %add3A_1043, %scan3A_1257 = %add3A_1046) -> (vector<16xf32>, vector<16xf32>, vector<16xf32>, vector<16xf32>, vector<16xi32>, vector<16xi32>, vector<16xi32>, vector<16xi32>)  : i32 {
      %gather3A = tpu.vector_load_idx %arg7[%scan3A_1254] : memref<12800xf32, #tpu.memory_space<vmem>>[vector<16xi32>], vector<16xf32>,
      %add3A_1258 = arith.addf %scan3A_1250, %gather3A : vector<16xf32>
      %gather3A_1259 = tpu.vector_load_idx %arg7[%scan3A_1255] : memref<12800xf32, #tpu.memory_space<vmem>>[vector<16xi32>], vector<16xf32>,
      %add3A_1260 = arith.addf %scan3A_1251, %gather3A_1259 : vector<16xf32>
      %gather3A_1261 = tpu.vector_load_idx %arg7[%scan3A_1256] : memref<12800xf32, #tpu.memory_space<vmem>>[vector<16xi32>], vector<16xf32>,
      %add3A_1262 = arith.addf %scan3A_1252, %gather3A_1261 : vector<16xf32>
      %gather3A_1263 = tpu.vector_load_idx %arg7[%scan3A_1257] : memref<12800xf32, #tpu.memory_space<vmem>>[vector<16xi32>], vector<16xf32>,
      %add3A_1264 = arith.addf %scan3A_1253, %gather3A_1263 : vector<16xf32>
      %add3A_1265 = arith.constant 1 : i32
      %add3A_1266 = vector.broadcast %add3A_1265 : i32 to vector<16xi32>
      %add3A_1267 = arith.addi %scan3A_1254, %add3A_1266 : vector<16xi32>
      %add3A_1268 = arith.constant 1 : i32
      %add3A_1269 = vector.broadcast %add3A_1268 : i32 to vector<16xi32>
      %add3A_1270 = arith.addi %scan3A_1255, %add3A_1269 : vector<16xi32>
      %add3A_1271 = arith.constant 1 : i32
      %add3A_1272 = vector.broadcast %add3A_1271 : i32 to vector<16xi32>
      %add3A_1273 = arith.addi %scan3A_1256, %add3A_1272 : vector<16xi32>
      %add3A_1274 = arith.constant 1 : i32
      %add3A_1275 = vector.broadcast %add3A_1274 : i32 to vector<16xi32>
      %add3A_1276 = arith.addi %scan3A_1257, %add3A_1275 : vector<16xi32>
      scf.yield %add3A_1258, %add3A_1260, %add3A_1262, %add3A_1264, %add3A_1267, %add3A_1270, %add3A_1273, %add3A_1276 : vector<16xf32>, vector<16xf32>, vector<16xf32>, vector<16xf32>, vector<16xi32>, vector<16xi32>, vector<16xi32>, vector<16xi32>
    }
    %scan3A_1052 = arith.constant 100 : i32
    %get3A_1053 = arith.constant 0 : index
    %get3A_1054 = tpu.vector_load %arg9[%get3A_1053] {strides = array<i32>} : memref<16xf32, #tpu.memory_space<vmem>>, vector<16xf32>,
    %add3A_1055 = arith.addf %scan3A_1051#0, %get3A_1054 : vector<16xf32>
    %jit3A_1056 = arith.constant -3.500000e+01 : f32
    %jit3A_1057 = arith.constant 3.500000e+01 : f32
    %max3A_1058 = vector.broadcast %jit3A_1056 : f32 to vector<16xf32>
    %max3A_1059 = arith.maximumf %max3A_1058, %add3A_1055 : vector<16xf32>
    %min3A_1060 = vector.broadcast %jit3A_1057 : f32 to vector<16xf32>
    %min3A_1061 = arith.minimumf %min3A_1060, %max3A_1059 : vector<16xf32>
    %neg3A_1062 = arith.constant 0.000000e+00 : f32
    %neg3A_1063 = vector.broadcast %neg3A_1062 : f32 to vector<16xf32>
    %neg3A_1064 = arith.subf %neg3A_1063, %min3A_1061 : vector<16xf32>
    %exp3A_1065 = math.exp %neg3A_1064 : vector<16xf32>
    %add3A_1066 = arith.constant 1.000000e+00 : f32
    %add3A_1067 = vector.broadcast %add3A_1066 : f32 to vector<16xf32>
    %add3A_1068 = arith.addf %add3A_1067, %exp3A_1065 : vector<16xf32>
    %div3A_1069 = arith.constant 1.000000e+00 : f32
    %div3A_1070 = vector.broadcast %div3A_1069 : f32 to vector<16xf32>
    %div3A_1071 = arith.divf %div3A_1070, %add3A_1068 : vector<16xf32>
    %swap3A_1072 = arith.constant 384 : index
    %swap3A_1073 = tpu.vector_load %arg8[%swap3A_1072] {strides = array<i32>} : memref<512xf32, #tpu.memory_space<vmem>>, vector<16xf32>,
    tpu.vector_store %arg8[%swap3A_1072], %div3A_1071 {strides = array<i32>} : memref<512xf32, #tpu.memory_space<vmem>>, vector<16xf32>,
    %add3A_1074 = arith.addf %scan3A_1051#1, %get3A_1054 : vector<16xf32>
    %jit3A_1075 = arith.constant -3.500000e+01 : f32
    %jit3A_1076 = arith.constant 3.500000e+01 : f32
    %max3A_1077 = vector.broadcast %jit3A_1075 : f32 to vector<16xf32>
    %max3A_1078 = arith.maximumf %max3A_1077, %add3A_1074 : vector<16xf32>
    %min3A_1079 = vector.broadcast %jit3A_1076 : f32 to vector<16xf32>
    %min3A_1080 = arith.minimumf %min3A_1079, %max3A_1078 : vector<16xf32>
    %neg3A_1081 = arith.constant 0.000000e+00 : f32
    %neg3A_1082 = vector.broadcast %neg3A_1081 : f32 to vector<16xf32>
    %neg3A_1083 = arith.subf %neg3A_1082, %min3A_1080 : vector<16xf32>
    %exp3A_1084 = math.exp %neg3A_1083 : vector<16xf32>
    %add3A_1085 = arith.constant 1.000000e+00 : f32
    %add3A_1086 = vector.broadcast %add3A_1085 : f32 to vector<16xf32>
    %add3A_1087 = arith.addf %add3A_1086, %exp3A_1084 : vector<16xf32>
    %div3A_1088 = arith.constant 1.000000e+00 : f32
    %div3A_1089 = vector.broadcast %div3A_1088 : f32 to vector<16xf32>
    %div3A_1090 = arith.divf %div3A_1089, %add3A_1087 : vector<16xf32>
    %swap3A_1091 = arith.constant 400 : index
    %swap3A_1092 = tpu.vector_load %arg8[%swap3A_1091] {strides = array<i32>} : memref<512xf32, #tpu.memory_space<vmem>>, vector<16xf32>,
    tpu.vector_store %arg8[%swap3A_1091], %div3A_1090 {strides = array<i32>} : memref<512xf32, #tpu.memory_space<vmem>>, vector<16xf32>,
    %add3A_1093 = arith.addf %scan3A_1051#2, %get3A_1054 : vector<16xf32>
    %jit3A_1094 = arith.constant -3.500000e+01 : f32
    %jit3A_1095 = arith.constant 3.500000e+01 : f32
    %max3A_1096 = vector.broadcast %jit3A_1094 : f32 to vector<16xf32>
    %max3A_1097 = arith.maximumf %max3A_1096, %add3A_1093 : vector<16xf32>
    %min3A_1098 = vector.broadcast %jit3A_1095 : f32 to vector<16xf32>
    %min3A_1099 = arith.minimumf %min3A_1098, %max3A_1097 : vector<16xf32>
    %neg3A_1100 = arith.constant 0.000000e+00 : f32
    %neg3A_1101 = vector.broadcast %neg3A_1100 : f32 to vector<16xf32>
    %neg3A_1102 = arith.subf %neg3A_1101, %min3A_1099 : vector<16xf32>
    %exp3A_1103 = math.exp %neg3A_1102 : vector<16xf32>
    %add3A_1104 = arith.constant 1.000000e+00 : f32
    %add3A_1105 = vector.broadcast %add3A_1104 : f32 to vector<16xf32>
    %add3A_1106 = arith.addf %add3A_1105, %exp3A_1103 : vector<16xf32>
    %div3A_1107 = arith.constant 1.000000e+00 : f32
    %div3A_1108 = vector.broadcast %div3A_1107 : f32 to vector<16xf32>
    %div3A_1109 = arith.divf %div3A_1108, %add3A_1106 : vector<16xf32>
    %swap3A_1110 = arith.constant 416 : index
    %swap3A_1111 = tpu.vector_load %arg8[%swap3A_1110] {strides = array<i32>} : memref<512xf32, #tpu.memory_space<vmem>>, vector<16xf32>,
    tpu.vector_store %arg8[%swap3A_1110], %div3A_1109 {strides = array<i32>} : memref<512xf32, #tpu.memory_space<vmem>>, vector<16xf32>,
    %add3A_1112 = arith.addf %scan3A_1051#3, %get3A_1054 : vector<16xf32>
    %jit3A_1113 = arith.constant -3.500000e+01 : f32
    %jit3A_1114 = arith.constant 3.500000e+01 : f32
    %max3A_1115 = vector.broadcast %jit3A_1113 : f32 to vector<16xf32>
    %max3A_1116 = arith.maximumf %max3A_1115, %add3A_1112 : vector<16xf32>
    %min3A_1117 = vector.broadcast %jit3A_1114 : f32 to vector<16xf32>
    %min3A_1118 = arith.minimumf %min3A_1117, %max3A_1116 : vector<16xf32>
    %neg3A_1119 = arith.constant 0.000000e+00 : f32
    %neg3A_1120 = vector.broadcast %neg3A_1119 : f32 to vector<16xf32>
    %neg3A_1121 = arith.subf %neg3A_1120, %min3A_1118 : vector<16xf32>
    %exp3A_1122 = math.exp %neg3A_1121 : vector<16xf32>
    %add3A_1123 = arith.constant 1.000000e+00 : f32
    %add3A_1124 = vector.broadcast %add3A_1123 : f32 to vector<16xf32>
    %add3A_1125 = arith.addf %add3A_1124, %exp3A_1122 : vector<16xf32>
    %div3A_1126 = arith.constant 1.000000e+00 : f32
    %div3A_1127 = vector.broadcast %div3A_1126 : f32 to vector<16xf32>
    %div3A_1128 = arith.divf %div3A_1127, %add3A_1125 : vector<16xf32>
    %swap3A_1129 = arith.constant 432 : index
    %swap3A_1130 = tpu.vector_load %arg8[%swap3A_1129] {strides = array<i32>} : memref<512xf32, #tpu.memory_space<vmem>>, vector<16xf32>,
    tpu.vector_store %arg8[%swap3A_1129], %div3A_1128 {strides = array<i32>} : memref<512xf32, #tpu.memory_space<vmem>>, vector<16xf32>,
    %dma_wait3A_1131 = arith.constant 6400 : i32
    %dma_wait3A_1132 = tpu.memref_slice %arg7[%dma_wait3A_1131] : memref<12800xf32, #tpu.memory_space<vmem>> -> memref<2048xf32, #tpu.memory_space<vmem>>
    %dma_wait3A_1133 = arith.constant 6400 : i32
    %dma_wait3A_1134 = tpu.memref_slice %arg6[%dma_wait3A_1133] : memref<12800xi32, #tpu.memory_space<vmem>> -> memref<2048xi32, #tpu.memory_space<vmem>>
    %dma_wait3A_1135 = arith.constant 0 : i32
    %dma_wait3A_1136 = tpu.memref_slice %arg3[%dma_wait3A_1135] : memref<1000000xf32, #tpu.memory_space<hbm>> -> memref<1000000xf32, #tpu.memory_space<hbm>>
    tpu.wait_indirect_dma semaphore(%arg14 : memref<!tpu.dma_semaphore, #tpu.memory_space<semaphore_mem>>) src(%dma_wait3A_1136 : memref<1000000xf32, #tpu.memory_space<hbm>>) dst(%dma_wait3A_1132 : memref<2048xf32, #tpu.memory_space<vmem>>)
    %dma_wait3A_1137 = arith.constant 8448 : i32
    %dma_wait3A_1138 = tpu.memref_slice %arg7[%dma_wait3A_1137] : memref<12800xf32, #tpu.memory_space<vmem>> -> memref<4352xf32, #tpu.memory_space<vmem>>
    %dma_wait3A_1139 = arith.constant 8448 : i32
    %dma_wait3A_1140 = tpu.memref_slice %arg6[%dma_wait3A_1139] : memref<12800xi32, #tpu.memory_space<vmem>> -> memref<4352xi32, #tpu.memory_space<vmem>>
    %dma_wait3A_1141 = arith.constant 0 : i32
    %dma_wait3A_1142 = tpu.memref_slice %arg10[%dma_wait3A_1141] : memref<1000000xf32, #tpu.memory_space<vmem_shared>> -> memref<1000000xf32, #tpu.memory_space<vmem_shared>>
    tpu.wait_indirect_dma semaphore(%arg16 : memref<!tpu.dma_semaphore, #tpu.memory_space<semaphore_mem>>) src(%dma_wait3A_1142 : memref<1000000xf32, #tpu.memory_space<vmem_shared>>) dst(%dma_wait3A_1138 : memref<4352xf32, #tpu.memory_space<vmem>>)
    %broadcast_in_dim3A_1143 = arith.constant 0.000000e+00 : f32
    %broadcast_in_dim3A_1144 = vector.broadcast %broadcast_in_dim3A_1143 : f32 to vector<16xf32>
    %broadcast_in_dim3A_1145 = arith.constant 0.000000e+00 : f32
    %broadcast_in_dim3A_1146 = vector.broadcast %broadcast_in_dim3A_1145 : f32 to vector<16xf32>
    %broadcast_in_dim3A_1147 = arith.constant 0.000000e+00 : f32
    %broadcast_in_dim3A_1148 = vector.broadcast %broadcast_in_dim3A_1147 : f32 to vector<16xf32>
    %broadcast_in_dim3A_1149 = arith.constant 0.000000e+00 : f32
    %broadcast_in_dim3A_1150 = vector.broadcast %broadcast_in_dim3A_1149 : f32 to vector<16xf32>
    %add3A_1151 = arith.constant 6400 : i32
    %add3A_1152 = vector.broadcast %add3A_1151 : i32 to vector<16xi32>
    %add3A_1153 = arith.addi %mul3A_5, %add3A_1152 : vector<16xi32>
    %add3A_1154 = arith.constant 8000 : i32
    %add3A_1155 = vector.broadcast %add3A_1154 : i32 to vector<16xi32>
    %add3A_1156 = arith.addi %mul3A_5, %add3A_1155 : vector<16xi32>
    %add3A_1157 = arith.constant 9600 : i32
    %add3A_1158 = vector.broadcast %add3A_1157 : i32 to vector<16xi32>
    %add3A_1159 = arith.addi %mul3A_5, %add3A_1158 : vector<16xi32>
    %add3A_1160 = arith.constant 11200 : i32
    %add3A_1161 = vector.broadcast %add3A_1160 : i32 to vector<16xi32>
    %add3A_1162 = arith.addi %mul3A_5, %add3A_1161 : vector<16xi32>
    %scan3A_1163 = arith.constant 0 : i32
    %scan3A_1164 = arith.constant 100 : i32
    %scan3A_1165 = arith.addi %scan3A_1163, %scan3A_1164 : i32
    %scan3A_1166 = arith.constant 1 : i32
    %scan3A_1167:8 = scf.for %scan3A_1249 = %scan3A_1163 to %scan3A_1165 step %scan3A_1166 iter_args(%scan3A_1250 = %broadcast_in_dim3A_1144, %scan3A_1251 = %broadcast_in_dim3A_1146, %scan3A_1252 = %broadcast_in_dim3A_1148, %scan3A_1253 = %broadcast_in_dim3A_1150, %scan3A_1254 = %add3A_1153, %scan3A_1255 = %add3A_1156, %scan3A_1256 = %add3A_1159, %scan3A_1257 = %add3A_1162) -> (vector<16xf32>, vector<16xf32>, vector<16xf32>, vector<16xf32>, vector<16xi32>, vector<16xi32>, vector<16xi32>, vector<16xi32>)  : i32 {
      %gather3A = tpu.vector_load_idx %arg7[%scan3A_1254] : memref<12800xf32, #tpu.memory_space<vmem>>[vector<16xi32>], vector<16xf32>,
      %add3A_1258 = arith.addf %scan3A_1250, %gather3A : vector<16xf32>
      %gather3A_1259 = tpu.vector_load_idx %arg7[%scan3A_1255] : memref<12800xf32, #tpu.memory_space<vmem>>[vector<16xi32>], vector<16xf32>,
      %add3A_1260 = arith.addf %scan3A_1251, %gather3A_1259 : vector<16xf32>
      %gather3A_1261 = tpu.vector_load_idx %arg7[%scan3A_1256] : memref<12800xf32, #tpu.memory_space<vmem>>[vector<16xi32>], vector<16xf32>,
      %add3A_1262 = arith.addf %scan3A_1252, %gather3A_1261 : vector<16xf32>
      %gather3A_1263 = tpu.vector_load_idx %arg7[%scan3A_1257] : memref<12800xf32, #tpu.memory_space<vmem>>[vector<16xi32>], vector<16xf32>,
      %add3A_1264 = arith.addf %scan3A_1253, %gather3A_1263 : vector<16xf32>
      %add3A_1265 = arith.constant 1 : i32
      %add3A_1266 = vector.broadcast %add3A_1265 : i32 to vector<16xi32>
      %add3A_1267 = arith.addi %scan3A_1254, %add3A_1266 : vector<16xi32>
      %add3A_1268 = arith.constant 1 : i32
      %add3A_1269 = vector.broadcast %add3A_1268 : i32 to vector<16xi32>
      %add3A_1270 = arith.addi %scan3A_1255, %add3A_1269 : vector<16xi32>
      %add3A_1271 = arith.constant 1 : i32
      %add3A_1272 = vector.broadcast %add3A_1271 : i32 to vector<16xi32>
      %add3A_1273 = arith.addi %scan3A_1256, %add3A_1272 : vector<16xi32>
      %add3A_1274 = arith.constant 1 : i32
      %add3A_1275 = vector.broadcast %add3A_1274 : i32 to vector<16xi32>
      %add3A_1276 = arith.addi %scan3A_1257, %add3A_1275 : vector<16xi32>
      scf.yield %add3A_1258, %add3A_1260, %add3A_1262, %add3A_1264, %add3A_1267, %add3A_1270, %add3A_1273, %add3A_1276 : vector<16xf32>, vector<16xf32>, vector<16xf32>, vector<16xf32>, vector<16xi32>, vector<16xi32>, vector<16xi32>, vector<16xi32>
    }
    %scan3A_1168 = arith.constant 100 : i32
    %get3A_1169 = arith.constant 0 : index
    %get3A_1170 = tpu.vector_load %arg9[%get3A_1169] {strides = array<i32>} : memref<16xf32, #tpu.memory_space<vmem>>, vector<16xf32>,
    %add3A_1171 = arith.addf %scan3A_1167#0, %get3A_1170 : vector<16xf32>
    %jit3A_1172 = arith.constant -3.500000e+01 : f32
    %jit3A_1173 = arith.constant 3.500000e+01 : f32
    %max3A_1174 = vector.broadcast %jit3A_1172 : f32 to vector<16xf32>
    %max3A_1175 = arith.maximumf %max3A_1174, %add3A_1171 : vector<16xf32>
    %min3A_1176 = vector.broadcast %jit3A_1173 : f32 to vector<16xf32>
    %min3A_1177 = arith.minimumf %min3A_1176, %max3A_1175 : vector<16xf32>
    %neg3A_1178 = arith.constant 0.000000e+00 : f32
    %neg3A_1179 = vector.broadcast %neg3A_1178 : f32 to vector<16xf32>
    %neg3A_1180 = arith.subf %neg3A_1179, %min3A_1177 : vector<16xf32>
    %exp3A_1181 = math.exp %neg3A_1180 : vector<16xf32>
    %add3A_1182 = arith.constant 1.000000e+00 : f32
    %add3A_1183 = vector.broadcast %add3A_1182 : f32 to vector<16xf32>
    %add3A_1184 = arith.addf %add3A_1183, %exp3A_1181 : vector<16xf32>
    %div3A_1185 = arith.constant 1.000000e+00 : f32
    %div3A_1186 = vector.broadcast %div3A_1185 : f32 to vector<16xf32>
    %div3A_1187 = arith.divf %div3A_1186, %add3A_1184 : vector<16xf32>
    %swap3A_1188 = arith.constant 448 : index
    %swap3A_1189 = tpu.vector_load %arg8[%swap3A_1188] {strides = array<i32>} : memref<512xf32, #tpu.memory_space<vmem>>, vector<16xf32>,
    tpu.vector_store %arg8[%swap3A_1188], %div3A_1187 {strides = array<i32>} : memref<512xf32, #tpu.memory_space<vmem>>, vector<16xf32>,
    %add3A_1190 = arith.addf %scan3A_1167#1, %get3A_1170 : vector<16xf32>
    %jit3A_1191 = arith.constant -3.500000e+01 : f32
    %jit3A_1192 = arith.constant 3.500000e+01 : f32
    %max3A_1193 = vector.broadcast %jit3A_1191 : f32 to vector<16xf32>
    %max3A_1194 = arith.maximumf %max3A_1193, %add3A_1190 : vector<16xf32>
    %min3A_1195 = vector.broadcast %jit3A_1192 : f32 to vector<16xf32>
    %min3A_1196 = arith.minimumf %min3A_1195, %max3A_1194 : vector<16xf32>
    %neg3A_1197 = arith.constant 0.000000e+00 : f32
    %neg3A_1198 = vector.broadcast %neg3A_1197 : f32 to vector<16xf32>
    %neg3A_1199 = arith.subf %neg3A_1198, %min3A_1196 : vector<16xf32>
    %exp3A_1200 = math.exp %neg3A_1199 : vector<16xf32>
    %add3A_1201 = arith.constant 1.000000e+00 : f32
    %add3A_1202 = vector.broadcast %add3A_1201 : f32 to vector<16xf32>
    %add3A_1203 = arith.addf %add3A_1202, %exp3A_1200 : vector<16xf32>
    %div3A_1204 = arith.constant 1.000000e+00 : f32
    %div3A_1205 = vector.broadcast %div3A_1204 : f32 to vector<16xf32>
    %div3A_1206 = arith.divf %div3A_1205, %add3A_1203 : vector<16xf32>
    %swap3A_1207 = arith.constant 464 : index
    %swap3A_1208 = tpu.vector_load %arg8[%swap3A_1207] {strides = array<i32>} : memref<512xf32, #tpu.memory_space<vmem>>, vector<16xf32>,
    tpu.vector_store %arg8[%swap3A_1207], %div3A_1206 {strides = array<i32>} : memref<512xf32, #tpu.memory_space<vmem>>, vector<16xf32>,
    %add3A_1209 = arith.addf %scan3A_1167#2, %get3A_1170 : vector<16xf32>
    %jit3A_1210 = arith.constant -3.500000e+01 : f32
    %jit3A_1211 = arith.constant 3.500000e+01 : f32
    %max3A_1212 = vector.broadcast %jit3A_1210 : f32 to vector<16xf32>
    %max3A_1213 = arith.maximumf %max3A_1212, %add3A_1209 : vector<16xf32>
    %min3A_1214 = vector.broadcast %jit3A_1211 : f32 to vector<16xf32>
    %min3A_1215 = arith.minimumf %min3A_1214, %max3A_1213 : vector<16xf32>
    %neg3A_1216 = arith.constant 0.000000e+00 : f32
    %neg3A_1217 = vector.broadcast %neg3A_1216 : f32 to vector<16xf32>
    %neg3A_1218 = arith.subf %neg3A_1217, %min3A_1215 : vector<16xf32>
    %exp3A_1219 = math.exp %neg3A_1218 : vector<16xf32>
    %add3A_1220 = arith.constant 1.000000e+00 : f32
    %add3A_1221 = vector.broadcast %add3A_1220 : f32 to vector<16xf32>
    %add3A_1222 = arith.addf %add3A_1221, %exp3A_1219 : vector<16xf32>
    %div3A_1223 = arith.constant 1.000000e+00 : f32
    %div3A_1224 = vector.broadcast %div3A_1223 : f32 to vector<16xf32>
    %div3A_1225 = arith.divf %div3A_1224, %add3A_1222 : vector<16xf32>
    %swap3A_1226 = arith.constant 480 : index
    %swap3A_1227 = tpu.vector_load %arg8[%swap3A_1226] {strides = array<i32>} : memref<512xf32, #tpu.memory_space<vmem>>, vector<16xf32>,
    tpu.vector_store %arg8[%swap3A_1226], %div3A_1225 {strides = array<i32>} : memref<512xf32, #tpu.memory_space<vmem>>, vector<16xf32>,
    %add3A_1228 = arith.addf %scan3A_1167#3, %get3A_1170 : vector<16xf32>
    %jit3A_1229 = arith.constant -3.500000e+01 : f32
    %jit3A_1230 = arith.constant 3.500000e+01 : f32
    %max3A_1231 = vector.broadcast %jit3A_1229 : f32 to vector<16xf32>
    %max3A_1232 = arith.maximumf %max3A_1231, %add3A_1228 : vector<16xf32>
    %min3A_1233 = vector.broadcast %jit3A_1230 : f32 to vector<16xf32>
    %min3A_1234 = arith.minimumf %min3A_1233, %max3A_1232 : vector<16xf32>
    %neg3A_1235 = arith.constant 0.000000e+00 : f32
    %neg3A_1236 = vector.broadcast %neg3A_1235 : f32 to vector<16xf32>
    %neg3A_1237 = arith.subf %neg3A_1236, %min3A_1234 : vector<16xf32>
    %exp3A_1238 = math.exp %neg3A_1237 : vector<16xf32>
    %add3A_1239 = arith.constant 1.000000e+00 : f32
    %add3A_1240 = vector.broadcast %add3A_1239 : f32 to vector<16xf32>
    %add3A_1241 = arith.addf %add3A_1240, %exp3A_1238 : vector<16xf32>
    %div3A_1242 = arith.constant 1.000000e+00 : f32
    %div3A_1243 = vector.broadcast %div3A_1242 : f32 to vector<16xf32>
    %div3A_1244 = arith.divf %div3A_1243, %add3A_1241 : vector<16xf32>
    %swap3A_1245 = arith.constant 496 : index
    %swap3A_1246 = tpu.vector_load %arg8[%swap3A_1245] {strides = array<i32>} : memref<512xf32, #tpu.memory_space<vmem>>, vector<16xf32>,
    tpu.vector_store %arg8[%swap3A_1245], %div3A_1244 {strides = array<i32>} : memref<512xf32, #tpu.memory_space<vmem>>, vector<16xf32>,
    %mul3A_1247 = arith.constant 512 : i32
    %mul3A_1248 = arith.muli %add3A, %mul3A_1247 : i32
    "tpu.region"() ({
      %run_scoped3A = tpu.sem_alloc : memref<!tpu.dma_semaphore, #tpu.memory_space<semaphore_mem>>
      %dma_start3A_1249 = tpu.memref_slice %arg5[%mul3A_1248] : memref<16384xf32, #tpu.memory_space<hbm>> -> memref<512xf32, #tpu.memory_space<hbm>>
      %dma_start3A_1250 = tpu.memref_slice %arg5[%mul3A_1248] : memref<16384xf32, #tpu.memory_space<hbm>> -> memref<512xf32, #tpu.memory_space<hbm>>
      tpu.enqueue_dma source(%arg8 : memref<512xf32, #tpu.memory_space<vmem>>) target(%dma_start3A_1250 : memref<512xf32, #tpu.memory_space<hbm>>) target_semaphore(%run_scoped3A : memref<!tpu.dma_semaphore, #tpu.memory_space<semaphore_mem>>)
      %dma_wait3A_1251 = tpu.memref_slice %arg5[%mul3A_1248] : memref<16384xf32, #tpu.memory_space<hbm>> -> memref<512xf32, #tpu.memory_space<hbm>>
      %dma_wait3A_1252 = tpu.memref_slice %arg5[%mul3A_1248] : memref<16384xf32, #tpu.memory_space<hbm>> -> memref<512xf32, #tpu.memory_space<hbm>>
      tpu.wait_dma2 semaphore(%run_scoped3A : memref<!tpu.dma_semaphore, #tpu.memory_space<semaphore_mem>>) src(%arg8 : memref<512xf32, #tpu.memory_space<vmem>>) dst(%dma_wait3A_1252 : memref<512xf32, #tpu.memory_space<hbm>>)
      tpu.yield
    }) : () -> ()
    return
  }
}

</mosaic_0001>

<sc_bundles>
// kernel: _wide_forward.3.cloned.1.call-start
scs
__scs_entry_jumppad:
0x0: {  	(pc) =	sbr.rel $0x88, $3  }
0x1: {  	(tag) =	ssettag $0x0;
	lr =	simm.s32 $0x1  }
0x2: {  	[smem:$0x3F9E] =	sst lr;
	_ =	strace $0xD0000000  }
0x3: {  	_ = 	snop  }
0x4: {  	_ = 	snop  }
0x5: {  	_ = 	snop  }
0x6: {  	_ = 	snop  }
0x7: {  	_ = 	snop  }
__scs_overlays_trampoline_lowered:
0x8: {  	[smem:$0x3FAD] =	sst s0  }
0x9: {  	[smem:$0x3FAE] =	sst s1  }
0xa: {  	[smem:$0x3FAF] =	sst s2  }
0xb: {  	[smem:$0x3FB0] =	sst s3  }
0xc: {  	[smem:$0x3FB1] =	sst s4  }
0xd: {  	[smem:$0x3FB2] =	sst s5  }
0xe: {  	[smem:$0x3FB3] =	sst s6  }
0xf: {  	[smem:$0x3FB4] =	sst s7  }
0x10: {  	[smem:$0x3FB5] =	sst s8  }
0x11: {  	[smem:$0x3FB6] =	sst s9;
	s0 =	simm.s32 @!p0 $0x0  }
0x12: {  	s1 =	sld [smem:$0x3F9C];
	s0 =	simm.s32 @p0 $0x1  }
0x13: {  	[smem:$0x3FB7] =	sst s0;
	s0 =	simm.s32 @!p1 $0x0  }
0x14: {  	s2 =	sld [smem:$0x3F9B];
	s0 =	simm.s32 @p1 $0x1  }
0x15: {  	[smem:$0x3FB8] =	sst s0;
	s0 =	simm.s32 @!p2 $0x0  }
0x16: {  	s3 =	sld [smem:$0x3FDB];
	s0 =	simm.s32 @p2 $0x1  }
0x17: {  	s4 =	simm.s32 $0x1BF5;
	[smem:$0x3FBA] =	sst s0  }
0x18: {  	s0 =	sld [smem:$0x3F9D];
	_ =	swait.ge [sflag:s4], $0x0  }
0x19: {  	s7 =	sld [smem:$0x3F9E]  }
0x1a: {  	s8 =	sadd.s32 $0xFFFFE003, lr  }
0x1b: {  	s9 =	sadd.s32 $0xFFFFFEF7, lr;
	s5 =	simm.s32 $0xFFFFFFFF;
	p2 =	slt.u32 s8, $0xFFFFF086  }
0x1c: {  	p1 =	slt.u32 s9, $0xF7A;
	s5 =	simm.s32 @!p2 $0x0  }
0x1d: {  	s5 =	simm.s32 @p1 $0x1;
	p0 =	seq.s32 s7, s2  }
0x1e: {  	s7 =	smul.u32 @!p0 $0xF7A, s2;
	p2 =	seq.s32 @!p0 s5, $0x0  }
0x1f: {  	s9 =	smul.u32 $0xF7A, s1;
	s8 =	simm.s32 @!p0 $0x1BF5;
	p2 =	por !p2, p0  }
0x20: {  	[sflag:s8] =	ssyncset.s32 @!p0 $0xFFFFF086;
	s6 =	sadd.s32 @!p0 s3, s7;
	s7 =	simm.s32 @!p0 $0x108  }
0x21: {  	s3 =	sadd.s32 s3, s9;
	s6 =	sadd.s32 @!p0 $0x88, s6;
	s7 =	simm.s32 @p2 $0x1082  }
0x22: {  	[simem:s7], [sflag:s8] =	dma.local @!p0 [hbm:s6], $0xF7A  }
0x23: {  	s9 =	sor.u32 $0xD0000000, s2;
	s6 =	simm.s32 $0x108;
	_ =	swait.ge @!p0 [sflag:s8], $0x0  }
0x24: {  	s3 =	sadd.s32 $0x88, s3;
	s6 =	simm.s32 @!p1 $0x1082;
	[sflag:s4] =	ssyncset.s32 $0xFFFFF086  }
0x25: {  	[simem:s6], [sflag:s4] =	dma.local [hbm:s3], $0xF7A  }
0x26: {  	[smem:$0x3F9E] =	sst s1;
	(tag) =	ssettag s2;
	_ =	strace s9  }
0x27: {  	s1 =	sld [smem:$0x3FAE]  }
0x28: {  	s2 =	sld [smem:$0x3FAF]  }
0x29: {  	s4 =	sld [smem:$0x3FB1]  }
0x2a: {  	p0 =	seq.s32 s5, $0x0;
	s5 =	sld [smem:$0x3FB2]  }
0x2b: {  	s6 =	sld [smem:$0x3FB3]  }
0x2c: {  	s7 =	sld [smem:$0x3FB4]  }
0x2d: {  	s3 =	simm.s32 $0x108;
	s8 =	sld [smem:$0x3FB5]  }
0x2e: {  	s3 =	simm.s32 @!p0 $0x1082;
	s9 =	sld [smem:$0x3FB6]  }
0x2f: {  	lr =	sadd.s32 s0, s3;
	s0 =	sld [smem:$0x3FAD]  }
0x30: {  	s3 =	sld [smem:$0x3FB0]  }
0x31: {  	[smem:$0x3FB9] =	sst s10  }
0x32: {  	s10 =	sld [smem:$0x3FB7];
	_ =	sdelay $0x3  }
0x33: {  	p0 =	seq.s32 s10, $0x1;
	s10 =	sld [smem:$0x3FB9];
	_ =	sdelay $0x3  }
0x34: {  	[smem:$0x3FB9] =	sst s10  }
0x35: {  	s10 =	sld [smem:$0x3FB8];
	_ =	sdelay $0x3  }
0x36: {  	p1 =	seq.s32 s10, $0x1;
	s10 =	sld [smem:$0x3FB9];
	_ =	sdelay $0x3  }
0x37: {  	[smem:$0x3FB9] =	sst s10  }
0x38: {  	s10 =	sld [smem:$0x3FBA]  }
0x39: {  	_ = 	snop;
	(pc) =	sbr.ind lr, $3  }
0x3a: {  	_ = 	snop  }
0x3b: {  	_ = 	snop  }
0x3c: {  	p2 =	seq.s32 s10, $0x1;
	s10 =	sld [smem:$0x3FB9]  }
0x3d: {  	_ =	shalt  }
0x3e: {  	_ =	shalt  }
0x3f: {  	_ =	shalt  }
0x40: {  	_ =	shalt  }
0x41: {  	_ =	shalt  }
0x42: {  	_ =	shalt  }
0x43: {  	_ =	shalt  }
0x44: {  	_ =	shalt  }
0x45: {  	_ =	shalt  }
0x46: {  	_ =	shalt  }
0x47: {  	_ =	shalt  }
0x48: {  	_ =	shalt  }
0x49: {  	_ =	shalt  }
0x4a: {  	_ =	shalt  }
0x4b: {  	_ =	shalt  }
0x4c: {  	_ =	shalt  }
0x4d: {  	_ =	shalt  }
0x4e: {  	_ =	shalt  }
0x4f: {  	_ =	shalt  }
0x50: {  	_ =	shalt  }
0x51: {  	_ =	shalt  }
0x52: {  	_ =	shalt  }
0x53: {  	_ =	shalt  }
0x54: {  	_ =	shalt  }
0x55: {  	_ =	shalt  }
0x56: {  	_ =	shalt  }
0x57: {  	_ =	shalt  }
0x58: {  	_ =	shalt  }
0x59: {  	_ =	shalt  }
0x5a: {  	_ =	shalt  }
0x5b: {  	_ =	shalt  }
0x5c: {  	_ =	shalt  }
0x5d: {  	_ =	shalt  }
0x5e: {  	_ =	shalt  }
0x5f: {  	_ =	shalt  }
0x60: {  	_ =	shalt  }
0x61: {  	_ =	shalt  }
0x62: {  	_ =	shalt  }
0x63: {  	_ =	shalt  }
0x64: {  	_ =	shalt  }
0x65: {  	_ =	shalt  }
0x66: {  	_ =	shalt  }
0x67: {  	_ =	shalt  }
0x68: {  	_ =	shalt  }
0x69: {  	_ =	shalt  }
0x6a: {  	_ =	shalt  }
0x6b: {  	_ =	shalt  }
0x6c: {  	_ =	shalt  }
0x6d: {  	_ =	shalt  }
0x6e: {  	_ =	shalt  }
0x6f: {  	_ =	shalt  }
0x70: {  	_ =	shalt  }
0x71: {  	_ =	shalt  }
0x72: {  	_ =	shalt  }
0x73: {  	_ =	shalt  }
0x74: {  	_ =	shalt  }
0x75: {  	_ =	shalt  }
0x76: {  	_ =	shalt  }
0x77: {  	_ =	shalt  }
0x78: {  	_ =	shalt  }
0x79: {  	_ =	shalt  }
0x7a: {  	_ =	shalt  }
0x7b: {  	_ =	shalt  }
0x7c: {  	_ =	shalt  }
0x7d: {  	_ =	shalt  }
0x7e: {  	_ =	shalt  }
0x7f: {  	_ =	shalt  }
0x80: {  	_ =	shalt  }
0x81: {  	_ =	shalt  }
0x82: {  	_ =	shalt  }
0x83: {  	_ =	shalt  }
0x84: {  	_ =	shalt  }
0x85: {  	_ =	shalt  }
0x86: {  	_ =	shalt  }
0x87: {  	_ =	shalt  }
.Lfunc_end0:
.L_simem_size_0:
called_computation_lowered:
.L_overlay_start_0:
0x88: {  	s2 =	sld [smem:$0x3FD9]  }
0x89: {  	s3 =	sld [smem:$0x3FFE];
	_ =	sdelay $0x1  }
0x8a: {  	s1 =	srdreg.scid  }
0x8b: {  	s0 =	sand.u32 $0x1, s1  }
0x8c: {  	s18 =	sshll.u32 s0, $0xA;
	s2 =	sadd.s32 s3, s2  }
0x8d: {  	s2 =	sadd.s32 s2, s18  }
0x8e: {  	[smem:$0x3FC5] =	sst s2  }
0x8f: {  	_ = 	snop  }
0x90: {  	s2 =	sld [smem:$0x3FC9]  }
0x91: {  	s19 =	sld [smem:$0x3FC8]  }
0x92: {  	s4 =	sld [smem:$0x3FC7]  }
0x93: {  	s5 =	sld [smem:$0x3FD0];
	(tm) =	ssettm $0x1  }
0x94: {  	s6 =	sld [smem:$0x3FFB];
	_ =	sdelay $0x3  }
0x95: {  	_ =	strace s6  }
0x96: {  	s6 =	sld [smem:$0x3FFC];
	_ =	sdelay $0x3  }
0x97: {  	_ =	strace s6  }
0x98: {  	s6 =	sld [smem:$0x3FFD];
	_ =	sdelay $0x3  }
0x99: {  	_ =	strace s6  }
0x9a: {  	_ =	strace $0x8FFFFFFF  }
0x9b: {  	s20 =	sld [smem:$0x3FDB];
	_ =	sdelay $0x1  }
0x9c: {  	s7 =	simm.s32 $_scs_section_size  }
0x9d: {  	s8 =	simm.s32 $_size__tile_overlayer_lowered;
	s9 =	simm.s32 $_tile_overlayer_lowered  }
0x9e: {  	s23 =	simm.s32 $0x1BFF;
	s22 =	sshll.u32 s9, $0x1;
	s6 =	sadd.s32 s7, s20  }
0x9f: {  	s10 =	simm.s32 $0x0;
	s21 =	sshll.u32 s8, $0x1;
	s8 =	sadd.s32 s22, s6  }
0xa0: {  	[timem:s10], [sflag:s23] =	dma.local [hbm:s8], s21  }
0xa1: {  	_ =	swait.ge [sflag:s23], s21  }
0xa2: {  	s7 =	ssub.s32 $0x0, s21;
	[sflag:s23] =	ssyncset.done $0x0  }
0xa3: {  	[sflag:s23] =	ssyncadd.s32 s7;
	_ =	sdelay $0x1  }
0xa4: {  	s24 =	simm.s32 $0x1B8B  }
0xa5: {  	_ =	swait.ge [sflag:s24], $0x1  }
0xa6: {  	[sflag:s24] =	ssyncset.done $0x0  }
0xa7: {  	s25 =	simm.s32 $0x1B8E;
	[sflag:s24] =	ssyncadd.s32 $0xFFFFFFFF  }
0xa8: {  	s26 =	simm.s32 $execute0_lowered;
	[smem:$0x3FD2] =	sst s25  }
0xa9: {  	s7 =	sshll.u32 s26, $0x1;
	_ =	strace $0x80000046;
	[dreg:$0x1] =	wrdreg $0xFFFFFFFF  }
0xaa: {  	s28 =	simm.s32 $_size_execute0_lowered;
	s6 =	sadd.s32 s6, s7;
	[dreg:$0x0] =	wrdreg $0x0  }
0xab: {  	s7 =	sshll.u32 s28, $0x1;
	[dreg:$0x2] =	wrdreg s6  }
0xac: {  	[dreg:$0x3] =	wrdreg s7  }
0xad: {  	[dreg:$0x4] =	wrdreg $0xC0  }
0xae: {  	_ =	task [dreg:s10], $0x5FFFF  }
0xaf: {  	[dreg:$0x1] =	wrdreg $0xFFFFFFFF  }
0xb0: {  	[dreg:$0x0] =	wrdreg $0x60  }
0xb1: {  	[dreg:$0x2] =	wrdreg s2  }
0xb2: {  	[dreg:$0x3] =	wrdreg s19  }
0xb3: {  	[dreg:$0x4] =	wrdreg s4  }
0xb4: {  	[dreg:$0x5] =	wrdreg s5  }
0xb5: {  	[dreg:$0x6] =	wrdreg $0x66800  }
0xb6: {  	[dreg:$0x7] =	wrdreg $0x9  }
0xb7: {  	_ =	task.clear_ibuf [dreg:s10], $0x8FFFF;
	_ =	strace $0x90000046  }
0xb8: {  	s29 =	simm.s32 $0x9;
	_ =	strace $0x80000048  }
0xb9: {  	_ =	swait.ge [sflag:s29], $0x1  }
0xba: {  	[sflag:s29] =	ssyncadd.s32 $0xFFFFFFFF  }
0xbb: {  	_ =	strace $0x90000048  }
0xbc: {  	_ =	sfence  }
0xbd: {  	s30 =	sld [smem:$0x0];
	_ =	sdelay $0x2  }
0xbe: {  	s31 =	sshll.u32 s1, $0xD;
	s1 =	sshrl.u32 s1, $0x2  }
0xbf: {  	s3 =	sand.u32 $0x4000, s31;
	s1 =	sadd.s32 s1, s30  }
0xc0: {  	s0 =	sor.u32 s3, s0;
	s1 =	sshll.u32 s1, $0x11  }
0xc1: {  	s0 =	sor.u32 s1, s0  }
0xc2: {  	s0 =	sadd.s32 $0x8F2B, s0  }
0xc3: {  	[sflag:s0] =	ssyncadd.remote.s32 $0x1  }
0xc4: {  	_ =	sfence.sel $0xFFFF  }
0xc5: {  	[dreg:$0x0] =	wrdreg $0xFFFFFFFF;
	(pc) =	sbr.abs _section_cstart, $3  }
0xc6: {  	[dreg:$0x1] =	wrdreg $0xFFFFFFFF  }
0xc7: {  	_ =	task.clear_ibuf [dreg:s10], $0x2FFFF;
	_ =	strace $0x9FFFFFFF  }
0xc8: {  	(tm) =	ssettm $0x7FFFFFFF  }
0xc9: {  	_ =	shalt  }
tec
execute0_lowered:
.L_overlay_start_1:
0x0: {  	(tag) =	ssettag $0x1  }
0x1: {  	s2 =	rddreg [dreg:$0x0]  }
0x2: {  	s0 =	rddreg [dreg:$0x1]  }
0x3: {  	s1 =	rddreg [dreg:$0x2]  }
0x4: {  	s6 =	rddreg [dreg:$0x3];
	s4 =	srdreg.scid  }
0x5: {  	s7 =	stileid.u32;
	s3 =	rddreg [dreg:$0x4];
	s12 =	simm.s32 $0x400  }
0x6: {  	s14 =	simm.s32 $0x1900;
	s15 =	simm.s32 $0x1;
	s16 =	simm.s32 $0x800  }
0x7: {  	s17 =	simm.s32 $0x3200;
	s18 =	simm.s32 $0x1100;
	s19 =	simm.s32 $0x3A00  }
0x8: {  	s20 =	simm.s32 $0x2;
	s21 =	simm.s32 $0x4B00;
	s22 =	simm.s32 $0x2100  }
0x9: {  	s23 =	simm.s32 $0x5300;
	s28 =	simm.s32 $0x4;
	s29 =	simm.s32 $0x6  }
0xa: {  	s30 =	simm.s32 $0x6400;
	s31 =	simm.s32 $0x0;
	s5 =	sand.u32 $0x1, s4  }
0xb: {  	s24 =	sshll.u32 s7, $0x1;
	s9 =	sshrl.u32 s7, $0x2;
	s4 =	simm.s32 $0x0  }
0xc: {  	p0 =	sne.s32 s7, $0x0;
	s8 =	sor.u32 s5, s24;
	s9 =	smul.u32 $0x64000, s9  }
0xd: {  	[smem:$0x7FF] =	sst s4;
	s5 =	ssub.s32 $0x2, s5;
	s24 =	simm.s32 $0x3  }
0xe: {  	v0 =	vlaneseq.u32;
	s10 =	sshll.u32 s8, $0x7;
	_ =	strace $0x80000047;
	s11 =	sshrl.u32 s5, $0x1  }
0xf: {  	v0 =	vmul.u32 $0x64, v0;
	s8 =	sshll.u32 s8, $0x6;
	s10 =	sand.u32 $0x380, s10;
	s25 =	ssub.s32 s5, s11  }
0x10: {  	s6 =	sadd.s32 s6, s8;
	s8 =	sshrl.u32 @!p0 s3, $0x3;
	s9 =	sor.u32 s9, s10  }
0x11: {  	v1 =	vadd.s32 $0x640, v0;
	s11 =	simm.s32 $0x80;
	s7 =	smax.u32 s25, $0x1;
	s26 =	sshrl.u32 s9, $0x3  }
0x12: {  	v2 =	vadd.s32 $0xC80, v0;
	v3 =	vadd.s32 $0x12C0, v0;
	v4 =	vadd.s32 $0x1900, v0;
	s10 =	simm.s32 $0x8;
	s25 =	simm.s32 $0x5;
	s5 =	sadd.s32 s2, s26  }
0x13: {  	v5 =	vadd.s32 $0x1F40, v0;
	v6 =	vadd.s32 $0x2580, v0;
	v7 =	vadd.s32 $0x2BC0, v0;
	s9 =	simm.s32 $0x6600;
	s13 =	sadd.s32 $0x1900, s5;
	s26 =	sadd.s32 $0x3200, s5  }
.LBB2_1:
0x14: {  	s2 =	simm.s32 @!p0 $0x1C07  }
0x15: {  	[spmem:s8], [sflag:s2] =	dma.local @!p0 [hbm:s0], $0x1E850  }
0x16: {  	[tilespmem:s9], [sflag:$0x8] =	stream.linear.gather [hbm4b:s1+s4], $0x80, $0x38;
	[tilespmem:$0x15AA8] =	vst v63  }
0x17: {  	_ =	swait.ge [sflag:s10], $0x80  }
0x18: {  	[sflag:s10] =	ssyncset.done $0x0  }
0x19: {  	[sflag:s10] =	ssyncadd.s32 $0xFFFFFF80  }
0x1a: {  	[tilespmem:s4], [sflag:$0x1] =	stream.strided.gather [hbm4b:s5+s11], $0x1900, s12, s11, $0x38;
	[tilespmem:$0x15AA8] =	vst v63  }
0x1b: {  	_ = 	snop  }
0x1c: {  	[tilespmem:s14], [sflag:$0x2] =	stream.strided.gather [hbm4b:s13+s11], $0x1900, s12, s11, $0x38;
	[tilespmem:$0x15AA8] =	vst v63  }
0x1d: {  	_ =	swait.ge [sflag:s15], $0x1900  }
0x1e: {  	[sflag:s15] =	ssyncset.done $0x0  }
0x1f: {  	s2 =	simm.s32 @!p0 $0x7;
	[sflag:s15] =	ssyncadd.s32 $0xFFFFE700  }
0x20: {  	[tilespmem:s17], [sflag:$0x3] =	stream.indirect.gather [hbm4b:s0+s16], $0x1, s4, s16, $0xb8;
	[tilespmem:$0x15AA8] =	vst v63  }
0x21: {  	_ =	swait.ge @!p0 [sflag:s2], $0x1E850  }
0x22: {  	[sflag:s2] =	ssyncset.done @!p0 $0x0  }
0x23: {  	[sflag:s2] =	ssyncadd.s32 @!p0 $0xFFFE17B0  }
0x24: {  	[bflag:$0x0] =	sbarrier.arrive $0xFFFF  }
0x25: {  	[tilespmem:s19], [sflag:$0x5] =	stream.indirect.gather [spmem:s3], $0x1, s16, s18, $0xb8;
	[tilespmem:$0x15AA8] =	vst v63  }
0x26: {  	_ =	swait.ge [sflag:s20], $0x1900  }
0x27: {  	[sflag:s20] =	ssyncset.done $0x0  }
0x28: {  	[sflag:s20] =	ssyncadd.s32 $0xFFFFE700  }
0x29: {  	[tilespmem:s21], [sflag:$0x4] =	stream.indirect.gather [hbm4b:s0+s16], $0x1, s14, s16, $0xb8;
	[tilespmem:$0x15AA8] =	vst v63  }
0x2a: {  	_ = 	snop  }
0x2b: {  	[tilespmem:s23], [sflag:$0x6] =	stream.indirect.gather [spmem:s3], $0x1, s22, s18, $0xb8;
	[tilespmem:$0x15AA8] =	vst v63  }
0x2c: {  	_ =	swait.ge [sflag:s24], $0x800  }
0x2d: {  	[sflag:s24] =	ssyncset.done $0x0  }
0x2e: {  	[sflag:s24] =	ssyncadd.s32 $0xFFFFF800  }
0x2f: {  	_ =	swait.ge [sflag:s25], $0x1100  }
0x30: {  	[sflag:s25] =	ssyncset.done $0x0  }
0x31: {  	[sflag:s25] =	ssyncadd.s32 $0xFFFFEF00  }
0x32: {  	[tilespmem:s4], [sflag:$0x1] =	stream.strided.gather [hbm4b:s26+s11], $0x1900, s12, s11, $0x38;
	[tilespmem:$0x15AA8] =	vst v63  }
0x33: {  	v14 =	vadd.s32 $0x1, v3;
	v8 =	vld.idx.msk [tilespmem:v3+s17+$0x0], $0xffff  }
0x34: {  	v15 =	vadd.s32 $0x1, v2;
	v11 =	vld.idx.msk [tilespmem:v2+s17+$0x0], $0xffff  }
0x35: {  	v10 =	vimm.f32 $0.0e+00;
	v16 =	vadd.s32 $0x1, v1;
	v18 =	vadd.s32 $0x1, v0;
	v12 =	vld.idx.msk [tilespmem:v1+s17+$0x0], $0xffff  }
0x36: {  	v9 =	vimm.f32 $0.0e+00;
	v19 =	vimm.f32 $0.0e+00;
	v13 =	vimm.f32 $0.0e+00;
	s2 =	simm.s32 $0x63;
	v17 =	vld.idx.msk [tilespmem:v0+s17+$0x0], $0xffff  }
.LBB2_2:
0x37: {  	p1 =	sne.s32 s2, $0x1  }
.Ltmp0:
0x38: {  	v22 =	vmov v8;
	v8 =	vld.idx.msk [tilespmem:v14+s17+$0x0], $0xffff;
	(pc) =	sbr.rel @p1 .LBB2_2-.Ltmp0, $4  }
0x39: {  	v14 =	vadd.s32 $0x1, v14;
	v21 =	vmov v11;
	v11 =	vld.idx.msk [tilespmem:v15+s17+$0x0], $0xffff  }
0x3a: {  	v15 =	vadd.s32 $0x1, v15;
	v9 =	vadd.f32 v22, v9;
	v10 =	vadd.f32 v21, v10;
	v20 =	vmovc v12;
	v12 =	vld.idx.msk [tilespmem:v16+s17+$0x0], $0xffff  }
0x3b: {  	s2 =	sadd.s32 $0xFFFFFFFF, s2;
	v16 =	vadd.s32 $0x1, v16;
	v19 =	vadd.f32 v17, v19;
	v17 =	vld.idx.msk [tilespmem:v18+s17+$0x0], $0xffff;
	v13 =	vadd.f32 v20, v13  }
0x3c: {  	v18 =	vadd.s32 $0x1, v18  }
0x3d: {  	v14 =	vld [tilespmem:$0x6600];
	_ =	sdelay $0x2  }
0x3e: {  	v15 =	vadd.f32 v17, v19;
	_ =	sdelay $0x1  }
0x3f: {  	v15 =	vadd.f32 v14, v15;
	_ =	sdelay $0x1  }
0x40: {  	v15 =	vmax.f32 v15, $-3.500000000e+01  }
0x41: {  	v15 =	vmin.f32 v15, $3.500000000e+01  }
0x42: {  	v15 =	vsub.f32 $0.0e+00, v15;
	_ =	sdelay $0x1  }
0x43: {  	v15 =	vmul.f32 $1.442695020e+00, v15;
	_ =	sdelay $0x1  }
0x44: {  	(erf) = vpow2.f32 v15;
	_ =	sdelay $0x2  }
0x45: {  	v12 =	vadd.f32 v12, v13;
	_ =	sdelay $0x1  }
0x46: {  	v12 =	vadd.f32 v14, v12;
	_ =	sdelay $0x1  }
0x47: {  	v12 =	vmax.f32 v12, $-3.500000000e+01  }
0x48: {  	v12 =	vmin.f32 v12, $3.500000000e+01  }
0x49: {  	v12 =	vsub.f32 $0.0e+00, v12;
	v13 =	vpop (erf)  }
0x4a: {  	v13 =	vadd.f32 $1.000000000e+00, v13  }
0x4b: {  	v12 =	vmul.f32 $1.442695020e+00, v12  }
0x4c: {  	(erf) = vrcp.f32 v13  }
0x4d: {  	(erf) = vpow2.f32 v12;
	_ =	sdelay $0x2  }
0x4e: {  	v10 =	vadd.f32 v11, v10;
	_ =	sdelay $0x1  }
0x4f: {  	v10 =	vadd.f32 v14, v10;
	_ =	sdelay $0x1  }
0x50: {  	v10 =	vmax.f32 v10, $-3.500000000e+01  }
0x51: {  	v10 =	vmin.f32 v10, $3.500000000e+01;
	v11 =	vpop (erf)  }
0x52: {  	v10 =	vsub.f32 $0.0e+00, v10;
	v12 =	vpop (erf)  }
0x53: {  	v12 =	vadd.f32 $1.000000000e+00, v12  }
0x54: {  	v10 =	vmul.f32 $1.442695020e+00, v10  }
0x55: {  	(erf) = vrcp.f32 v12  }
0x56: {  	(erf) = vpow2.f32 v10;
	_ =	sdelay $0x2  }
0x57: {  	v8 =	vadd.f32 v8, v9;
	_ =	sdelay $0x1  }
0x58: {  	v8 =	vadd.f32 v14, v8;
	_ =	sdelay $0x1  }
0x59: {  	v8 =	vmax.f32 v8, $-3.500000000e+01  }
0x5a: {  	v8 =	vmin.f32 v8, $3.500000000e+01;
	v9 =	vpop (erf)  }
0x5b: {  	v8 =	vsub.f32 $0.0e+00, v8;
	v10 =	vpop (erf)  }
0x5c: {  	v10 =	vadd.f32 $1.000000000e+00, v10  }
0x5d: {  	v8 =	vmul.f32 $1.442695020e+00, v8  }
0x5e: {  	(erf) = vrcp.f32 v10  }
0x5f: {  	(erf) = vpow2.f32 v8;
	_ =	sdelay $0x7  }
0x60: {  	v8 =	vpop (erf)  }
0x61: {  	v10 =	vpop (erf)  }
0x62: {  	v10 =	vadd.f32 $1.000000000e+00, v10;
	_ =	sdelay $0x1  }
0x63: {  	(erf) = vrcp.f32 v10;
	_ =	sdelay $0x6  }
0x64: {  	[tilespmem:$0x6400] =	vst v11  }
0x65: {  	[tilespmem:$0x6410] =	vst v9  }
0x66: {  	[tilespmem:$0x6420] =	vst v8;
	v8 =	vpop (erf)  }
0x67: {  	[tilespmem:$0x6430] =	vst v8  }
0x68: {  	_ =	swait.ge [sflag:s15], $0x1900  }
0x69: {  	[sflag:s15] =	ssyncset.done $0x0  }
0x6a: {  	[sflag:s15] =	ssyncadd.s32 $0xFFFFE700  }
0x6b: {  	[tilespmem:s17], [sflag:$0x3] =	stream.indirect.gather [hbm4b:s0+s16], $0x1, s4, s16, $0xb8;
	[tilespmem:$0x15AA8] =	vst v63  }
0x6c: {  	_ = 	snop  }
0x6d: {  	[tilespmem:s19], [sflag:$0x5] =	stream.indirect.gather [spmem:s3], $0x1, s16, s18, $0xb8;
	[tilespmem:$0x15AA8] =	vst v63  }
0x6e: {  	_ =	swait.ge [sflag:s28], $0x800  }
0x6f: {  	[sflag:s28] =	ssyncset.done $0x0  }
0x70: {  	[sflag:s28] =	ssyncadd.s32 $0xFFFFF800  }
0x71: {  	_ =	swait.ge [sflag:s29], $0x1100  }
0x72: {  	[sflag:s29] =	ssyncset.done $0x0  }
0x73: {  	s2 =	sadd.s32 $0x4B00, s5;
	[sflag:s29] =	ssyncadd.s32 $0xFFFFEF00  }
0x74: {  	[tilespmem:s14], [sflag:$0x2] =	stream.strided.gather [hbm4b:s2+s11], $0x1900, s12, s11, $0x38;
	[tilespmem:$0x15AA8] =	vst v63  }
0x75: {  	v14 =	vadd.s32 $0x1, v7;
	v8 =	vld.idx.msk [tilespmem:v7+s17+$0x0], $0xffff  }
0x76: {  	v15 =	vadd.s32 $0x1, v6;
	v11 =	vld.idx.msk [tilespmem:v6+s17+$0x0], $0xffff  }
0x77: {  	v16 =	vadd.s32 $0x1, v5;
	v18 =	vadd.s32 $0x1, v4;
	v19 =	vimm.f32 $0.0e+00;
	v12 =	vld.idx.msk [tilespmem:v5+s17+$0x0], $0xffff  }
0x78: {  	v13 =	vimm.f32 $0.0e+00;
	v9 =	vimm.f32 $0.0e+00;
	v10 =	vimm.f32 $0.0e+00;
	s2 =	simm.s32 $0x63;
	v17 =	vld.idx.msk [tilespmem:v4+s17+$0x0], $0xffff  }
.LBB2_4:
0x79: {  	p1 =	sne.s32 s2, $0x1  }
.Ltmp1:
0x7a: {  	v22 =	vmov v8;
	v8 =	vld.idx.msk [tilespmem:v14+s17+$0x0], $0xffff;
	(pc) =	sbr.rel @p1 .LBB2_4-.Ltmp1, $4  }
0x7b: {  	v14 =	vadd.s32 $0x1, v14;
	v21 =	vmov v11;
	v11 =	vld.idx.msk [tilespmem:v15+s17+$0x0], $0xffff  }
0x7c: {  	v15 =	vadd.s32 $0x1, v15;
	v9 =	vadd.f32 v22, v9;
	v10 =	vadd.f32 v21, v10;
	v20 =	vmovc v12;
	v12 =	vld.idx.msk [tilespmem:v16+s17+$0x0], $0xffff  }
0x7d: {  	s2 =	sadd.s32 $0xFFFFFFFF, s2;
	v16 =	vadd.s32 $0x1, v16;
	v19 =	vadd.f32 v17, v19;
	v17 =	vld.idx.msk [tilespmem:v18+s17+$0x0], $0xffff;
	v13 =	vadd.f32 v20, v13  }
0x7e: {  	v18 =	vadd.s32 $0x1, v18  }
0x7f: {  	v14 =	vld [tilespmem:$0x6600];
	_ =	sdelay $0x2  }
0x80: {  	v15 =	vadd.f32 v17, v19;
	_ =	sdelay $0x1  }
0x81: {  	v15 =	vadd.f32 v14, v15;
	_ =	sdelay $0x1  }
0x82: {  	v15 =	vmax.f32 v15, $-3.500000000e+01  }
0x83: {  	v15 =	vmin.f32 v15, $3.500000000e+01  }
0x84: {  	v15 =	vsub.f32 $0.0e+00, v15;
	_ =	sdelay $0x1  }
0x85: {  	v15 =	vmul.f32 $1.442695020e+00, v15;
	_ =	sdelay $0x1  }
0x86: {  	(erf) = vpow2.f32 v15;
	_ =	sdelay $0x2  }
0x87: {  	v12 =	vadd.f32 v12, v13;
	_ =	sdelay $0x1  }
0x88: {  	v12 =	vadd.f32 v14, v12;
	_ =	sdelay $0x1  }
0x89: {  	v12 =	vmax.f32 v12, $-3.500000000e+01  }
0x8a: {  	v12 =	vmin.f32 v12, $3.500000000e+01  }
0x8b: {  	v12 =	vsub.f32 $0.0e+00, v12;
	v13 =	vpop (erf)  }
0x8c: {  	v13 =	vadd.f32 $1.000000000e+00, v13  }
0x8d: {  	v12 =	vmul.f32 $1.442695020e+00, v12  }
0x8e: {  	(erf) = vrcp.f32 v13  }
0x8f: {  	(erf) = vpow2.f32 v12;
	_ =	sdelay $0x2  }
0x90: {  	v10 =	vadd.f32 v11, v10;
	_ =	sdelay $0x1  }
0x91: {  	v10 =	vadd.f32 v14, v10;
	_ =	sdelay $0x1  }
0x92: {  	v10 =	vmax.f32 v10, $-3.500000000e+01  }
0x93: {  	v10 =	vmin.f32 v10, $3.500000000e+01;
	v11 =	vpop (erf)  }
0x94: {  	v10 =	vsub.f32 $0.0e+00, v10;
	v12 =	vpop (erf)  }
0x95: {  	v12 =	vadd.f32 $1.000000000e+00, v12  }
0x96: {  	v10 =	vmul.f32 $1.442695020e+00, v10  }
0x97: {  	(erf) = vrcp.f32 v12  }
0x98: {  	(erf) = vpow2.f32 v10;
	_ =	sdelay $0x2  }
0x99: {  	v8 =	vadd.f32 v8, v9;
	_ =	sdelay $0x1  }
0x9a: {  	v8 =	vadd.f32 v14, v8;
	_ =	sdelay $0x1  }
0x9b: {  	v8 =	vmax.f32 v8, $-3.500000000e+01  }
0x9c: {  	v8 =	vmin.f32 v8, $3.500000000e+01;
	v9 =	vpop (erf)  }
0x9d: {  	v8 =	vsub.f32 $0.0e+00, v8;
	v10 =	vpop (erf)  }
0x9e: {  	v10 =	vadd.f32 $1.000000000e+00, v10  }
0x9f: {  	v8 =	vmul.f32 $1.442695020e+00, v8  }
0xa0: {  	(erf) = vrcp.f32 v10  }
0xa1: {  	(erf) = vpow2.f32 v8;
	_ =	sdelay $0x7  }
0xa2: {  	v8 =	vpop (erf)  }
0xa3: {  	v10 =	vpop (erf)  }
0xa4: {  	v10 =	vadd.f32 $1.000000000e+00, v10;
	_ =	sdelay $0x1  }
0xa5: {  	(erf) = vrcp.f32 v10;
	_ =	sdelay $0x6  }
0xa6: {  	[tilespmem:$0x6440] =	vst v11  }
0xa7: {  	[tilespmem:$0x6450] =	vst v9  }
0xa8: {  	[tilespmem:$0x6460] =	vst v8;
	v8 =	vpop (erf)  }
0xa9: {  	[tilespmem:$0x6470] =	vst v8  }
0xaa: {  	_ =	swait.ge [sflag:s20], $0x1900  }
0xab: {  	[sflag:s20] =	ssyncset.done $0x0  }
0xac: {  	[sflag:s20] =	ssyncadd.s32 $0xFFFFE700  }
0xad: {  	[tilespmem:s21], [sflag:$0x4] =	stream.indirect.gather [hbm4b:s0+s16], $0x1, s14, s16, $0xb8;
	[tilespmem:$0x15AA8] =	vst v63  }
0xae: {  	_ = 	snop  }
0xaf: {  	[tilespmem:s23], [sflag:$0x6] =	stream.indirect.gather [spmem:s3], $0x1, s22, s18, $0xb8;
	[tilespmem:$0x15AA8] =	vst v63  }
0xb0: {  	_ =	swait.ge [sflag:s24], $0x800  }
0xb1: {  	[sflag:s24] =	ssyncset.done $0x0  }
0xb2: {  	[sflag:s24] =	ssyncadd.s32 $0xFFFFF800  }
0xb3: {  	_ =	swait.ge [sflag:s25], $0x1100  }
0xb4: {  	[sflag:s25] =	ssyncset.done $0x0  }
0xb5: {  	s2 =	sadd.s32 $0x6400, s5;
	[sflag:s25] =	ssyncadd.s32 $0xFFFFEF00  }
0xb6: {  	[tilespmem:s4], [sflag:$0x1] =	stream.strided.gather [hbm4b:s2+s11], $0x1900, s12, s11, $0x38;
	[tilespmem:$0x15AA8] =	vst v63  }
0xb7: {  	v14 =	vadd.s32 $0x1, v3;
	v8 =	vld.idx.msk [tilespmem:v3+s17+$0x0], $0xffff  }
0xb8: {  	v15 =	vadd.s32 $0x1, v2;
	v11 =	vld.idx.msk [tilespmem:v2+s17+$0x0], $0xffff  }
0xb9: {  	v16 =	vadd.s32 $0x1, v1;
	v18 =	vadd.s32 $0x1, v0;
	v19 =	vimm.f32 $0.0e+00;
	v12 =	vld.idx.msk [tilespmem:v1+s17+$0x0], $0xffff  }
0xba: {  	v13 =	vimm.f32 $0.0e+00;
	v9 =	vimm.f32 $0.0e+00;
	v10 =	vimm.f32 $0.0e+00;
	s2 =	simm.s32 $0x63;
	v17 =	vld.idx.msk [tilespmem:v0+s17+$0x0], $0xffff  }
.LBB2_6:
0xbb: {  	p1 =	sne.s32 s2, $0x1  }
.Ltmp2:
0xbc: {  	v22 =	vmov v8;
	v8 =	vld.idx.msk [tilespmem:v14+s17+$0x0], $0xffff;
	(pc) =	sbr.rel @p1 .LBB2_6-.Ltmp2, $4  }
0xbd: {  	v14 =	vadd.s32 $0x1, v14;
	v21 =	vmov v11;
	v11 =	vld.idx.msk [tilespmem:v15+s17+$0x0], $0xffff  }
0xbe: {  	v15 =	vadd.s32 $0x1, v15;
	v9 =	vadd.f32 v22, v9;
	v10 =	vadd.f32 v21, v10;
	v20 =	vmovc v12;
	v12 =	vld.idx.msk [tilespmem:v16+s17+$0x0], $0xffff  }
0xbf: {  	s2 =	sadd.s32 $0xFFFFFFFF, s2;
	v16 =	vadd.s32 $0x1, v16;
	v19 =	vadd.f32 v17, v19;
	v17 =	vld.idx.msk [tilespmem:v18+s17+$0x0], $0xffff;
	v13 =	vadd.f32 v20, v13  }
0xc0: {  	v18 =	vadd.s32 $0x1, v18  }
0xc1: {  	v14 =	vld [tilespmem:$0x6600];
	_ =	sdelay $0x2  }
0xc2: {  	v15 =	vadd.f32 v17, v19;
	_ =	sdelay $0x1  }
0xc3: {  	v15 =	vadd.f32 v14, v15;
	_ =	sdelay $0x1  }
0xc4: {  	v15 =	vmax.f32 v15, $-3.500000000e+01  }
0xc5: {  	v15 =	vmin.f32 v15, $3.500000000e+01  }
0xc6: {  	v15 =	vsub.f32 $0.0e+00, v15;
	_ =	sdelay $0x1  }
0xc7: {  	v15 =	vmul.f32 $1.442695020e+00, v15;
	_ =	sdelay $0x1  }
0xc8: {  	(erf) = vpow2.f32 v15;
	_ =	sdelay $0x2  }
0xc9: {  	v12 =	vadd.f32 v12, v13;
	_ =	sdelay $0x1  }
0xca: {  	v12 =	vadd.f32 v14, v12;
	_ =	sdelay $0x1  }
0xcb: {  	v12 =	vmax.f32 v12, $-3.500000000e+01  }
0xcc: {  	v12 =	vmin.f32 v12, $3.500000000e+01  }
0xcd: {  	v12 =	vsub.f32 $0.0e+00, v12;
	v13 =	vpop (erf)  }
0xce: {  	v13 =	vadd.f32 $1.000000000e+00, v13  }
0xcf: {  	v12 =	vmul.f32 $1.442695020e+00, v12  }
0xd0: {  	(erf) = vrcp.f32 v13  }
0xd1: {  	(erf) = vpow2.f32 v12;
	_ =	sdelay $0x2  }
0xd2: {  	v10 =	vadd.f32 v11, v10;
	_ =	sdelay $0x1  }
0xd3: {  	v10 =	vadd.f32 v14, v10;
	_ =	sdelay $0x1  }
0xd4: {  	v10 =	vmax.f32 v10, $-3.500000000e+01  }
0xd5: {  	v10 =	vmin.f32 v10, $3.500000000e+01;
	v11 =	vpop (erf)  }
0xd6: {  	v10 =	vsub.f32 $0.0e+00, v10;
	v12 =	vpop (erf)  }
0xd7: {  	v12 =	vadd.f32 $1.000000000e+00, v12  }
0xd8: {  	v10 =	vmul.f32 $1.442695020e+00, v10  }
0xd9: {  	(erf) = vrcp.f32 v12  }
0xda: {  	(erf) = vpow2.f32 v10;
	_ =	sdelay $0x2  }
0xdb: {  	v8 =	vadd.f32 v8, v9;
	_ =	sdelay $0x1  }
0xdc: {  	v8 =	vadd.f32 v14, v8;
	_ =	sdelay $0x1  }
0xdd: {  	v8 =	vmax.f32 v8, $-3.500000000e+01  }
0xde: {  	v8 =	vmin.f32 v8, $3.500000000e+01;
	v9 =	vpop (erf)  }
0xdf: {  	v8 =	vsub.f32 $0.0e+00, v8;
	v10 =	vpop (erf)  }
0xe0: {  	v10 =	vadd.f32 $1.000000000e+00, v10  }
0xe1: {  	v8 =	vmul.f32 $1.442695020e+00, v8  }
0xe2: {  	(erf) = vrcp.f32 v10  }
0xe3: {  	(erf) = vpow2.f32 v8;
	_ =	sdelay $0x7  }
0xe4: {  	v8 =	vpop (erf)  }
0xe5: {  	v10 =	vpop (erf)  }
0xe6: {  	v10 =	vadd.f32 $1.000000000e+00, v10;
	_ =	sdelay $0x1  }
0xe7: {  	(erf) = vrcp.f32 v10;
	_ =	sdelay $0x6  }
0xe8: {  	[tilespmem:$0x6480] =	vst v11  }
0xe9: {  	[tilespmem:$0x6490] =	vst v9  }
0xea: {  	[tilespmem:$0x64A0] =	vst v8;
	v8 =	vpop (erf)  }
0xeb: {  	[tilespmem:$0x64B0] =	vst v8  }
0xec: {  	_ =	swait.ge [sflag:s15], $0x1900  }
0xed: {  	[sflag:s15] =	ssyncset.done $0x0  }
0xee: {  	[sflag:s15] =	ssyncadd.s32 $0xFFFFE700  }
0xef: {  	[tilespmem:s17], [sflag:$0x3] =	stream.indirect.gather [hbm4b:s0+s16], $0x1, s4, s16, $0xb8;
	[tilespmem:$0x15AA8] =	vst v63  }
0xf0: {  	_ = 	snop  }
0xf1: {  	[tilespmem:s19], [sflag:$0x5] =	stream.indirect.gather [spmem:s3], $0x1, s16, s18, $0xb8;
	[tilespmem:$0x15AA8] =	vst v63  }
0xf2: {  	_ =	swait.ge [sflag:s28], $0x800  }
0xf3: {  	[sflag:s28] =	ssyncset.done $0x0  }
0xf4: {  	[sflag:s28] =	ssyncadd.s32 $0xFFFFF800  }
0xf5: {  	_ =	swait.ge [sflag:s29], $0x1100  }
0xf6: {  	[sflag:s29] =	ssyncset.done $0x0  }
0xf7: {  	s2 =	sadd.s32 $0x7D00, s5;
	[sflag:s29] =	ssyncadd.s32 $0xFFFFEF00  }
0xf8: {  	[tilespmem:s14], [sflag:$0x2] =	stream.strided.gather [hbm4b:s2+s11], $0x1900, s12, s11, $0x38;
	[tilespmem:$0x15AA8] =	vst v63  }
0xf9: {  	v14 =	vadd.s32 $0x1, v7;
	v8 =	vld.idx.msk [tilespmem:v7+s17+$0x0], $0xffff  }
0xfa: {  	v15 =	vadd.s32 $0x1, v6;
	v11 =	vld.idx.msk [tilespmem:v6+s17+$0x0], $0xffff  }
0xfb: {  	v16 =	vadd.s32 $0x1, v5;
	v18 =	vadd.s32 $0x1, v4;
	v19 =	vimm.f32 $0.0e+00;
	v12 =	vld.idx.msk [tilespmem:v5+s17+$0x0], $0xffff  }
0xfc: {  	v13 =	vimm.f32 $0.0e+00;
	v9 =	vimm.f32 $0.0e+00;
	v10 =	vimm.f32 $0.0e+00;
	s2 =	simm.s32 $0x63;
	v17 =	vld.idx.msk [tilespmem:v4+s17+$0x0], $0xffff  }
.LBB2_8:
0xfd: {  	p1 =	sne.s32 s2, $0x1  }
.Ltmp3:
0xfe: {  	v22 =	vmov v8;
	v8 =	vld.idx.msk [tilespmem:v14+s17+$0x0], $0xffff;
	(pc) =	sbr.rel @p1 .LBB2_8-.Ltmp3, $4  }
0xff: {  	v14 =	vadd.s32 $0x1, v14;
	v21 =	vmov v11;
	v11 =	vld.idx.msk [tilespmem:v15+s17+$0x0], $0xffff  }
0x100: {  	v15 =	vadd.s32 $0x1, v15;
	v9 =	vadd.f32 v22, v9;
	v10 =	vadd.f32 v21, v10;
	v20 =	vmovc v12;
	v12 =	vld.idx.msk [tilespmem:v16+s17+$0x0], $0xffff  }
0x101: {  	s2 =	sadd.s32 $0xFFFFFFFF, s2;
	v16 =	vadd.s32 $0x1, v16;
	v19 =	vadd.f32 v17, v19;
	v17 =	vld.idx.msk [tilespmem:v18+s17+$0x0], $0xffff;
	v13 =	vadd.f32 v20, v13  }
0x102: {  	v18 =	vadd.s32 $0x1, v18  }
0x103: {  	v14 =	vld [tilespmem:$0x6600];
	_ =	sdelay $0x2  }
0x104: {  	v15 =	vadd.f32 v17, v19;
	_ =	sdelay $0x1  }
0x105: {  	v15 =	vadd.f32 v14, v15;
	_ =	sdelay $0x1  }
0x106: {  	v15 =	vmax.f32 v15, $-3.500000000e+01  }
0x107: {  	v15 =	vmin.f32 v15, $3.500000000e+01  }
0x108: {  	v15 =	vsub.f32 $0.0e+00, v15;
	_ =	sdelay $0x1  }
0x109: {  	v15 =	vmul.f32 $1.442695020e+00, v15;
	_ =	sdelay $0x1  }
0x10a: {  	(erf) = vpow2.f32 v15;
	_ =	sdelay $0x2  }
0x10b: {  	v12 =	vadd.f32 v12, v13;
	_ =	sdelay $0x1  }
0x10c: {  	v12 =	vadd.f32 v14, v12;
	_ =	sdelay $0x1  }
0x10d: {  	v12 =	vmax.f32 v12, $-3.500000000e+01  }
0x10e: {  	v12 =	vmin.f32 v12, $3.500000000e+01  }
0x10f: {  	v12 =	vsub.f32 $0.0e+00, v12;
	v13 =	vpop (erf)  }
0x110: {  	v13 =	vadd.f32 $1.000000000e+00, v13  }
0x111: {  	v12 =	vmul.f32 $1.442695020e+00, v12  }
0x112: {  	(erf) = vrcp.f32 v13  }
0x113: {  	(erf) = vpow2.f32 v12;
	_ =	sdelay $0x2  }
0x114: {  	v10 =	vadd.f32 v11, v10;
	_ =	sdelay $0x1  }
0x115: {  	v10 =	vadd.f32 v14, v10;
	_ =	sdelay $0x1  }
0x116: {  	v10 =	vmax.f32 v10, $-3.500000000e+01  }
0x117: {  	v10 =	vmin.f32 v10, $3.500000000e+01;
	v11 =	vpop (erf)  }
0x118: {  	v10 =	vsub.f32 $0.0e+00, v10;
	v12 =	vpop (erf)  }
0x119: {  	v12 =	vadd.f32 $1.000000000e+00, v12  }
0x11a: {  	v10 =	vmul.f32 $1.442695020e+00, v10  }
0x11b: {  	(erf) = vrcp.f32 v12  }
0x11c: {  	(erf) = vpow2.f32 v10;
	_ =	sdelay $0x2  }
0x11d: {  	v8 =	vadd.f32 v8, v9;
	_ =	sdelay $0x1  }
0x11e: {  	v8 =	vadd.f32 v14, v8;
	_ =	sdelay $0x1  }
0x11f: {  	v8 =	vmax.f32 v8, $-3.500000000e+01  }
0x120: {  	v8 =	vmin.f32 v8, $3.500000000e+01;
	v9 =	vpop (erf)  }
0x121: {  	v8 =	vsub.f32 $0.0e+00, v8;
	v10 =	vpop (erf)  }
0x122: {  	v10 =	vadd.f32 $1.000000000e+00, v10  }
0x123: {  	v8 =	vmul.f32 $1.442695020e+00, v8  }
0x124: {  	(erf) = vrcp.f32 v10  }
0x125: {  	(erf) = vpow2.f32 v8;
	_ =	sdelay $0x7  }
0x126: {  	v8 =	vpop (erf)  }
0x127: {  	v10 =	vpop (erf)  }
0x128: {  	v10 =	vadd.f32 $1.000000000e+00, v10;
	_ =	sdelay $0x1  }
0x129: {  	(erf) = vrcp.f32 v10;
	_ =	sdelay $0x6  }
0x12a: {  	[tilespmem:$0x64C0] =	vst v11  }
0x12b: {  	[tilespmem:$0x64D0] =	vst v9  }
0x12c: {  	[tilespmem:$0x64E0] =	vst v8;
	v8 =	vpop (erf)  }
0x12d: {  	[tilespmem:$0x64F0] =	vst v8  }
0x12e: {  	_ =	swait.ge [sflag:s20], $0x1900  }
0x12f: {  	[sflag:s20] =	ssyncset.done $0x0  }
0x130: {  	[sflag:s20] =	ssyncadd.s32 $0xFFFFE700  }
0x131: {  	[tilespmem:s21], [sflag:$0x4] =	stream.indirect.gather [hbm4b:s0+s16], $0x1, s14, s16, $0xb8;
	[tilespmem:$0x15AA8] =	vst v63  }
0x132: {  	_ = 	snop  }
0x133: {  	[tilespmem:s23], [sflag:$0x6] =	stream.indirect.gather [spmem:s3], $0x1, s22, s18, $0xb8;
	[tilespmem:$0x15AA8] =	vst v63  }
0x134: {  	_ =	swait.ge [sflag:s24], $0x800  }
0x135: {  	[sflag:s24] =	ssyncset.done $0x0  }
0x136: {  	[sflag:s24] =	ssyncadd.s32 $0xFFFFF800  }
0x137: {  	_ =	swait.ge [sflag:s25], $0x1100  }
0x138: {  	[sflag:s25] =	ssyncset.done $0x0  }
0x139: {  	s2 =	sadd.s32 $0x9600, s5;
	[sflag:s25] =	ssyncadd.s32 $0xFFFFEF00  }
0x13a: {  	[tilespmem:s4], [sflag:$0x1] =	stream.strided.gather [hbm4b:s2+s11], $0x1900, s12, s11, $0x38;
	[tilespmem:$0x15AA8] =	vst v63  }
0x13b: {  	v14 =	vadd.s32 $0x1, v3;
	v8 =	vld.idx.msk [tilespmem:v3+s17+$0x0], $0xffff  }
0x13c: {  	v15 =	vadd.s32 $0x1, v2;
	v11 =	vld.idx.msk [tilespmem:v2+s17+$0x0], $0xffff  }
0x13d: {  	v16 =	vadd.s32 $0x1, v1;
	v18 =	vadd.s32 $0x1, v0;
	v19 =	vimm.f32 $0.0e+00;
	v12 =	vld.idx.msk [tilespmem:v1+s17+$0x0], $0xffff  }
0x13e: {  	v13 =	vimm.f32 $0.0e+00;
	v9 =	vimm.f32 $0.0e+00;
	v10 =	vimm.f32 $0.0e+00;
	s2 =	simm.s32 $0x63;
	v17 =	vld.idx.msk [tilespmem:v0+s17+$0x0], $0xffff  }
.LBB2_10:
0x13f: {  	p1 =	sne.s32 s2, $0x1  }
.Ltmp4:
0x140: {  	v22 =	vmov v8;
	v8 =	vld.idx.msk [tilespmem:v14+s17+$0x0], $0xffff;
	(pc) =	sbr.rel @p1 .LBB2_10-.Ltmp4, $4  }
0x141: {  	v14 =	vadd.s32 $0x1, v14;
	v21 =	vmov v11;
	v11 =	vld.idx.msk [tilespmem:v15+s17+$0x0], $0xffff  }
0x142: {  	v15 =	vadd.s32 $0x1, v15;
	v9 =	vadd.f32 v22, v9;
	v10 =	vadd.f32 v21, v10;
	v20 =	vmovc v12;
	v12 =	vld.idx.msk [tilespmem:v16+s17+$0x0], $0xffff  }
0x143: {  	s2 =	sadd.s32 $0xFFFFFFFF, s2;
	v16 =	vadd.s32 $0x1, v16;
	v19 =	vadd.f32 v17, v19;
	v17 =	vld.idx.msk [tilespmem:v18+s17+$0x0], $0xffff;
	v13 =	vadd.f32 v20, v13  }
0x144: {  	v18 =	vadd.s32 $0x1, v18  }
0x145: {  	v14 =	vld [tilespmem:$0x6600];
	_ =	sdelay $0x2  }
0x146: {  	v15 =	vadd.f32 v17, v19;
	_ =	sdelay $0x1  }
0x147: {  	v15 =	vadd.f32 v14, v15;
	_ =	sdelay $0x1  }
0x148: {  	v15 =	vmax.f32 v15, $-3.500000000e+01  }
0x149: {  	v15 =	vmin.f32 v15, $3.500000000e+01  }
0x14a: {  	v15 =	vsub.f32 $0.0e+00, v15;
	_ =	sdelay $0x1  }
0x14b: {  	v15 =	vmul.f32 $1.442695020e+00, v15;
	_ =	sdelay $0x1  }
0x14c: {  	(erf) = vpow2.f32 v15;
	_ =	sdelay $0x2  }
0x14d: {  	v12 =	vadd.f32 v12, v13;
	_ =	sdelay $0x1  }
0x14e: {  	v12 =	vadd.f32 v14, v12;
	_ =	sdelay $0x1  }
0x14f: {  	v12 =	vmax.f32 v12, $-3.500000000e+01  }
0x150: {  	v12 =	vmin.f32 v12, $3.500000000e+01  }
0x151: {  	v12 =	vsub.f32 $0.0e+00, v12;
	v13 =	vpop (erf)  }
0x152: {  	v13 =	vadd.f32 $1.000000000e+00, v13  }
0x153: {  	v12 =	vmul.f32 $1.442695020e+00, v12  }
0x154: {  	(erf) = vrcp.f32 v13  }
0x155: {  	(erf) = vpow2.f32 v12;
	_ =	sdelay $0x2  }
0x156: {  	v10 =	vadd.f32 v11, v10;
	_ =	sdelay $0x1  }
0x157: {  	v10 =	vadd.f32 v14, v10;
	_ =	sdelay $0x1  }
0x158: {  	v10 =	vmax.f32 v10, $-3.500000000e+01  }
0x159: {  	v10 =	vmin.f32 v10, $3.500000000e+01;
	v11 =	vpop (erf)  }
0x15a: {  	v10 =	vsub.f32 $0.0e+00, v10;
	v12 =	vpop (erf)  }
0x15b: {  	v12 =	vadd.f32 $1.000000000e+00, v12  }
0x15c: {  	v10 =	vmul.f32 $1.442695020e+00, v10  }
0x15d: {  	(erf) = vrcp.f32 v12  }
0x15e: {  	(erf) = vpow2.f32 v10;
	_ =	sdelay $0x2  }
0x15f: {  	v8 =	vadd.f32 v8, v9;
	_ =	sdelay $0x1  }
0x160: {  	v8 =	vadd.f32 v14, v8;
	_ =	sdelay $0x1  }
0x161: {  	v8 =	vmax.f32 v8, $-3.500000000e+01  }
0x162: {  	v8 =	vmin.f32 v8, $3.500000000e+01;
	v9 =	vpop (erf)  }
0x163: {  	v8 =	vsub.f32 $0.0e+00, v8;
	v10 =	vpop (erf)  }
0x164: {  	v10 =	vadd.f32 $1.000000000e+00, v10  }
0x165: {  	v8 =	vmul.f32 $1.442695020e+00, v8  }
0x166: {  	(erf) = vrcp.f32 v10  }
0x167: {  	(erf) = vpow2.f32 v8;
	_ =	sdelay $0x7  }
0x168: {  	v8 =	vpop (erf)  }
0x169: {  	v10 =	vpop (erf)  }
0x16a: {  	v10 =	vadd.f32 $1.000000000e+00, v10;
	_ =	sdelay $0x1  }
0x16b: {  	(erf) = vrcp.f32 v10;
	_ =	sdelay $0x6  }
0x16c: {  	[tilespmem:$0x6500] =	vst v11  }
0x16d: {  	[tilespmem:$0x6510] =	vst v9  }
0x16e: {  	[tilespmem:$0x6520] =	vst v8;
	v8 =	vpop (erf)  }
0x16f: {  	[tilespmem:$0x6530] =	vst v8  }
0x170: {  	_ =	swait.ge [sflag:s15], $0x1900  }
0x171: {  	[sflag:s15] =	ssyncset.done $0x0  }
0x172: {  	[sflag:s15] =	ssyncadd.s32 $0xFFFFE700  }
0x173: {  	[tilespmem:s17], [sflag:$0x3] =	stream.indirect.gather [hbm4b:s0+s16], $0x1, s4, s16, $0xb8;
	[tilespmem:$0x15AA8] =	vst v63  }
0x174: {  	_ = 	snop  }
0x175: {  	[tilespmem:s19], [sflag:$0x5] =	stream.indirect.gather [spmem:s3], $0x1, s16, s18, $0xb8;
	[tilespmem:$0x15AA8] =	vst v63  }
0x176: {  	_ =	swait.ge [sflag:s28], $0x800  }
0x177: {  	[sflag:s28] =	ssyncset.done $0x0  }
0x178: {  	[sflag:s28] =	ssyncadd.s32 $0xFFFFF800  }
0x179: {  	_ =	swait.ge [sflag:s29], $0x1100  }
0x17a: {  	[sflag:s29] =	ssyncset.done $0x0  }
0x17b: {  	s2 =	sadd.s32 $0xAF00, s5;
	[sflag:s29] =	ssyncadd.s32 $0xFFFFEF00  }
0x17c: {  	[tilespmem:s14], [sflag:$0x2] =	stream.strided.gather [hbm4b:s2+s11], $0x1900, s12, s11, $0x38;
	[tilespmem:$0x15AA8] =	vst v63  }
0x17d: {  	v14 =	vadd.s32 $0x1, v7;
	v8 =	vld.idx.msk [tilespmem:v7+s17+$0x0], $0xffff  }
0x17e: {  	v15 =	vadd.s32 $0x1, v6;
	v11 =	vld.idx.msk [tilespmem:v6+s17+$0x0], $0xffff  }
0x17f: {  	v16 =	vadd.s32 $0x1, v5;
	v18 =	vadd.s32 $0x1, v4;
	v19 =	vimm.f32 $0.0e+00;
	v12 =	vld.idx.msk [tilespmem:v5+s17+$0x0], $0xffff  }
0x180: {  	v13 =	vimm.f32 $0.0e+00;
	v9 =	vimm.f32 $0.0e+00;
	v10 =	vimm.f32 $0.0e+00;
	s2 =	simm.s32 $0x63;
	v17 =	vld.idx.msk [tilespmem:v4+s17+$0x0], $0xffff  }
.LBB2_12:
0x181: {  	p1 =	sne.s32 s2, $0x1  }
.Ltmp5:
0x182: {  	v22 =	vmov v8;
	v8 =	vld.idx.msk [tilespmem:v14+s17+$0x0], $0xffff;
	(pc) =	sbr.rel @p1 .LBB2_12-.Ltmp5, $4  }
0x183: {  	v14 =	vadd.s32 $0x1, v14;
	v21 =	vmov v11;
	v11 =	vld.idx.msk [tilespmem:v15+s17+$0x0], $0xffff  }
0x184: {  	v15 =	vadd.s32 $0x1, v15;
	v9 =	vadd.f32 v22, v9;
	v10 =	vadd.f32 v21, v10;
	v20 =	vmovc v12;
	v12 =	vld.idx.msk [tilespmem:v16+s17+$0x0], $0xffff  }
0x185: {  	s2 =	sadd.s32 $0xFFFFFFFF, s2;
	v16 =	vadd.s32 $0x1, v16;
	v19 =	vadd.f32 v17, v19;
	v17 =	vld.idx.msk [tilespmem:v18+s17+$0x0], $0xffff;
	v13 =	vadd.f32 v20, v13  }
0x186: {  	v18 =	vadd.s32 $0x1, v18  }
0x187: {  	v14 =	vld [tilespmem:$0x6600];
	_ =	sdelay $0x2  }
0x188: {  	v15 =	vadd.f32 v17, v19;
	_ =	sdelay $0x1  }
0x189: {  	v15 =	vadd.f32 v14, v15;
	_ =	sdelay $0x1  }
0x18a: {  	v15 =	vmax.f32 v15, $-3.500000000e+01  }
0x18b: {  	v15 =	vmin.f32 v15, $3.500000000e+01  }
0x18c: {  	v15 =	vsub.f32 $0.0e+00, v15;
	_ =	sdelay $0x1  }
0x18d: {  	v15 =	vmul.f32 $1.442695020e+00, v15;
	_ =	sdelay $0x1  }
0x18e: {  	(erf) = vpow2.f32 v15;
	_ =	sdelay $0x2  }
0x18f: {  	v12 =	vadd.f32 v12, v13;
	_ =	sdelay $0x1  }
0x190: {  	v12 =	vadd.f32 v14, v12;
	_ =	sdelay $0x1  }
0x191: {  	v12 =	vmax.f32 v12, $-3.500000000e+01  }
0x192: {  	v12 =	vmin.f32 v12, $3.500000000e+01  }
0x193: {  	v12 =	vsub.f32 $0.0e+00, v12;
	v13 =	vpop (erf)  }
0x194: {  	v13 =	vadd.f32 $1.000000000e+00, v13  }
0x195: {  	v12 =	vmul.f32 $1.442695020e+00, v12  }
0x196: {  	(erf) = vrcp.f32 v13  }
0x197: {  	(erf) = vpow2.f32 v12;
	_ =	sdelay $0x2  }
0x198: {  	v10 =	vadd.f32 v11, v10;
	_ =	sdelay $0x1  }
0x199: {  	v10 =	vadd.f32 v14, v10;
	_ =	sdelay $0x1  }
0x19a: {  	v10 =	vmax.f32 v10, $-3.500000000e+01  }
0x19b: {  	v10 =	vmin.f32 v10, $3.500000000e+01;
	v11 =	vpop (erf)  }
0x19c: {  	v10 =	vsub.f32 $0.0e+00, v10;
	v12 =	vpop (erf)  }
0x19d: {  	v12 =	vadd.f32 $1.000000000e+00, v12  }
0x19e: {  	v10 =	vmul.f32 $1.442695020e+00, v10  }
0x19f: {  	(erf) = vrcp.f32 v12  }
0x1a0: {  	(erf) = vpow2.f32 v10;
	_ =	sdelay $0x2  }
0x1a1: {  	v8 =	vadd.f32 v8, v9;
	_ =	sdelay $0x1  }
0x1a2: {  	v8 =	vadd.f32 v14, v8;
	_ =	sdelay $0x1  }
0x1a3: {  	v8 =	vmax.f32 v8, $-3.500000000e+01  }
0x1a4: {  	v8 =	vmin.f32 v8, $3.500000000e+01;
	v9 =	vpop (erf)  }
0x1a5: {  	v8 =	vsub.f32 $0.0e+00, v8;
	v10 =	vpop (erf)  }
0x1a6: {  	v10 =	vadd.f32 $1.000000000e+00, v10  }
0x1a7: {  	v8 =	vmul.f32 $1.442695020e+00, v8  }
0x1a8: {  	(erf) = vrcp.f32 v10  }
0x1a9: {  	(erf) = vpow2.f32 v8;
	_ =	sdelay $0x7  }
0x1aa: {  	v8 =	vpop (erf)  }
0x1ab: {  	v10 =	vpop (erf)  }
0x1ac: {  	v10 =	vadd.f32 $1.000000000e+00, v10;
	_ =	sdelay $0x1  }
0x1ad: {  	(erf) = vrcp.f32 v10;
	_ =	sdelay $0x6  }
0x1ae: {  	[tilespmem:$0x6540] =	vst v11  }
0x1af: {  	[tilespmem:$0x6550] =	vst v9  }
0x1b0: {  	[tilespmem:$0x6560] =	vst v8;
	v8 =	vpop (erf)  }
0x1b1: {  	[tilespmem:$0x6570] =	vst v8  }
0x1b2: {  	_ =	swait.ge [sflag:s20], $0x1900  }
0x1b3: {  	[sflag:s20] =	ssyncset.done $0x0  }
0x1b4: {  	[sflag:s20] =	ssyncadd.s32 $0xFFFFE700  }
0x1b5: {  	[tilespmem:s21], [sflag:$0x4] =	stream.indirect.gather [hbm4b:s0+s16], $0x1, s14, s16, $0xb8;
	[tilespmem:$0x15AA8] =	vst v63  }
0x1b6: {  	_ = 	snop  }
0x1b7: {  	[tilespmem:s23], [sflag:$0x6] =	stream.indirect.gather [spmem:s3], $0x1, s22, s18, $0xb8;
	[tilespmem:$0x15AA8] =	vst v63  }
0x1b8: {  	_ =	swait.ge [sflag:s24], $0x800  }
0x1b9: {  	[sflag:s24] =	ssyncset.done $0x0  }
0x1ba: {  	[sflag:s24] =	ssyncadd.s32 $0xFFFFF800  }
0x1bb: {  	_ =	swait.ge [sflag:s25], $0x1100  }
0x1bc: {  	[sflag:s25] =	ssyncset.done $0x0  }
0x1bd: {  	[sflag:s25] =	ssyncadd.s32 $0xFFFFEF00  }
0x1be: {  	v14 =	vadd.s32 $0x1, v3;
	v8 =	vld.idx.msk [tilespmem:v3+s17+$0x0], $0xffff  }
0x1bf: {  	v15 =	vadd.s32 $0x1, v2;
	v11 =	vld.idx.msk [tilespmem:v2+s17+$0x0], $0xffff  }
0x1c0: {  	v16 =	vadd.s32 $0x1, v1;
	v18 =	vadd.s32 $0x1, v0;
	v19 =	vimm.f32 $0.0e+00;
	v12 =	vld.idx.msk [tilespmem:v1+s17+$0x0], $0xffff  }
0x1c1: {  	s2 =	simm.s32 $0x63;
	v13 =	vimm.f32 $0.0e+00;
	v9 =	vimm.f32 $0.0e+00;
	v10 =	vimm.f32 $0.0e+00;
	v17 =	vld.idx.msk [tilespmem:v0+s17+$0x0], $0xffff  }
.LBB2_14:
0x1c2: {  	p1 =	sne.s32 s2, $0x1  }
.Ltmp6:
0x1c3: {  	v22 =	vmov v8;
	v8 =	vld.idx.msk [tilespmem:v14+s17+$0x0], $0xffff;
	(pc) =	sbr.rel @p1 .LBB2_14-.Ltmp6, $4  }
0x1c4: {  	v14 =	vadd.s32 $0x1, v14;
	v21 =	vmov v11;
	v11 =	vld.idx.msk [tilespmem:v15+s17+$0x0], $0xffff  }
0x1c5: {  	v15 =	vadd.s32 $0x1, v15;
	v9 =	vadd.f32 v22, v9;
	v10 =	vadd.f32 v21, v10;
	v20 =	vmovc v12;
	v12 =	vld.idx.msk [tilespmem:v16+s17+$0x0], $0xffff  }
0x1c6: {  	s2 =	sadd.s32 $0xFFFFFFFF, s2;
	v16 =	vadd.s32 $0x1, v16;
	v19 =	vadd.f32 v17, v19;
	v17 =	vld.idx.msk [tilespmem:v18+s17+$0x0], $0xffff;
	v13 =	vadd.f32 v20, v13  }
0x1c7: {  	v18 =	vadd.s32 $0x1, v18  }
0x1c8: {  	v14 =	vld [tilespmem:$0x6600];
	_ =	sdelay $0x2  }
0x1c9: {  	v15 =	vadd.f32 v17, v19;
	_ =	sdelay $0x1  }
0x1ca: {  	v15 =	vadd.f32 v14, v15;
	_ =	sdelay $0x1  }
0x1cb: {  	v15 =	vmax.f32 v15, $-3.500000000e+01  }
0x1cc: {  	v15 =	vmin.f32 v15, $3.500000000e+01  }
0x1cd: {  	v15 =	vsub.f32 $0.0e+00, v15;
	_ =	sdelay $0x1  }
0x1ce: {  	v15 =	vmul.f32 $1.442695020e+00, v15;
	_ =	sdelay $0x1  }
0x1cf: {  	(erf) = vpow2.f32 v15;
	_ =	sdelay $0x2  }
0x1d0: {  	v12 =	vadd.f32 v12, v13;
	_ =	sdelay $0x1  }
0x1d1: {  	v12 =	vadd.f32 v14, v12;
	_ =	sdelay $0x1  }
0x1d2: {  	v12 =	vmax.f32 v12, $-3.500000000e+01  }
0x1d3: {  	v12 =	vmin.f32 v12, $3.500000000e+01  }
0x1d4: {  	v12 =	vsub.f32 $0.0e+00, v12;
	v13 =	vpop (erf)  }
0x1d5: {  	v13 =	vadd.f32 $1.000000000e+00, v13  }
0x1d6: {  	v12 =	vmul.f32 $1.442695020e+00, v12  }
0x1d7: {  	(erf) = vrcp.f32 v13  }
0x1d8: {  	(erf) = vpow2.f32 v12;
	_ =	sdelay $0x2  }
0x1d9: {  	v10 =	vadd.f32 v11, v10;
	_ =	sdelay $0x1  }
0x1da: {  	v10 =	vadd.f32 v14, v10;
	_ =	sdelay $0x1  }
0x1db: {  	v10 =	vmax.f32 v10, $-3.500000000e+01  }
0x1dc: {  	v10 =	vmin.f32 v10, $3.500000000e+01;
	v11 =	vpop (erf)  }
0x1dd: {  	v10 =	vsub.f32 $0.0e+00, v10;
	v12 =	vpop (erf)  }
0x1de: {  	v12 =	vadd.f32 $1.000000000e+00, v12  }
0x1df: {  	v10 =	vmul.f32 $1.442695020e+00, v10  }
0x1e0: {  	(erf) = vrcp.f32 v12  }
0x1e1: {  	(erf) = vpow2.f32 v10;
	_ =	sdelay $0x2  }
0x1e2: {  	v8 =	vadd.f32 v8, v9;
	_ =	sdelay $0x1  }
0x1e3: {  	v8 =	vadd.f32 v14, v8;
	_ =	sdelay $0x1  }
0x1e4: {  	v8 =	vmax.f32 v8, $-3.500000000e+01  }
0x1e5: {  	v8 =	vmin.f32 v8, $3.500000000e+01;
	v9 =	vpop (erf)  }
0x1e6: {  	v8 =	vsub.f32 $0.0e+00, v8;
	v10 =	vpop (erf)  }
0x1e7: {  	v10 =	vadd.f32 $1.000000000e+00, v10  }
0x1e8: {  	v8 =	vmul.f32 $1.442695020e+00, v8  }
0x1e9: {  	(erf) = vrcp.f32 v10  }
0x1ea: {  	(erf) = vpow2.f32 v8;
	_ =	sdelay $0x7  }
0x1eb: {  	v8 =	vpop (erf)  }
0x1ec: {  	v10 =	vpop (erf)  }
0x1ed: {  	v10 =	vadd.f32 $1.000000000e+00, v10;
	_ =	sdelay $0x1  }
0x1ee: {  	(erf) = vrcp.f32 v10;
	_ =	sdelay $0x6  }
0x1ef: {  	[tilespmem:$0x6580] =	vst v11  }
0x1f0: {  	[tilespmem:$0x6590] =	vst v9  }
0x1f1: {  	[tilespmem:$0x65A0] =	vst v8;
	v8 =	vpop (erf)  }
0x1f2: {  	[tilespmem:$0x65B0] =	vst v8  }
0x1f3: {  	_ =	swait.ge [sflag:s28], $0x800  }
0x1f4: {  	[sflag:s28] =	ssyncset.done $0x0  }
0x1f5: {  	[sflag:s28] =	ssyncadd.s32 $0xFFFFF800  }
0x1f6: {  	_ =	swait.ge [sflag:s29], $0x1100  }
0x1f7: {  	[sflag:s29] =	ssyncset.done $0x0  }
0x1f8: {  	[sflag:s29] =	ssyncadd.s32 $0xFFFFEF00  }
0x1f9: {  	v14 =	vadd.s32 $0x1, v7;
	v8 =	vld.idx.msk [tilespmem:v7+s17+$0x0], $0xffff  }
0x1fa: {  	v15 =	vadd.s32 $0x1, v6;
	v11 =	vld.idx.msk [tilespmem:v6+s17+$0x0], $0xffff  }
0x1fb: {  	v16 =	vadd.s32 $0x1, v5;
	v18 =	vadd.s32 $0x1, v4;
	v19 =	vimm.f32 $0.0e+00;
	v12 =	vld.idx.msk [tilespmem:v5+s17+$0x0], $0xffff  }
0x1fc: {  	s2 =	simm.s32 $0x63;
	v13 =	vimm.f32 $0.0e+00;
	v9 =	vimm.f32 $0.0e+00;
	v10 =	vimm.f32 $0.0e+00;
	v17 =	vld.idx.msk [tilespmem:v4+s17+$0x0], $0xffff  }
.LBB2_16:
0x1fd: {  	p1 =	sne.s32 s2, $0x1  }
.Ltmp7:
0x1fe: {  	v22 =	vmov v8;
	v8 =	vld.idx.msk [tilespmem:v14+s17+$0x0], $0xffff;
	(pc) =	sbr.rel @p1 .LBB2_16-.Ltmp7, $4  }
0x1ff: {  	v14 =	vadd.s32 $0x1, v14;
	v21 =	vmov v11;
	v11 =	vld.idx.msk [tilespmem:v15+s17+$0x0], $0xffff  }
0x200: {  	v15 =	vadd.s32 $0x1, v15;
	v9 =	vadd.f32 v22, v9;
	v10 =	vadd.f32 v21, v10;
	v20 =	vmovc v12;
	v12 =	vld.idx.msk [tilespmem:v16+s17+$0x0], $0xffff  }
0x201: {  	s2 =	sadd.s32 $0xFFFFFFFF, s2;
	v16 =	vadd.s32 $0x1, v16;
	v19 =	vadd.f32 v17, v19;
	v17 =	vld.idx.msk [tilespmem:v18+s17+$0x0], $0xffff;
	v13 =	vadd.f32 v20, v13  }
0x202: {  	v18 =	vadd.s32 $0x1, v18  }
0x203: {  	v14 =	vld [tilespmem:$0x6600];
	_ =	sdelay $0x2  }
0x204: {  	v15 =	vadd.f32 v17, v19;
	_ =	sdelay $0x1  }
0x205: {  	v15 =	vadd.f32 v14, v15;
	_ =	sdelay $0x1  }
0x206: {  	v15 =	vmax.f32 v15, $-3.500000000e+01  }
0x207: {  	v15 =	vmin.f32 v15, $3.500000000e+01  }
0x208: {  	v15 =	vsub.f32 $0.0e+00, v15;
	_ =	sdelay $0x1  }
0x209: {  	v15 =	vmul.f32 $1.442695020e+00, v15;
	_ =	sdelay $0x1  }
0x20a: {  	(erf) = vpow2.f32 v15;
	_ =	sdelay $0x2  }
0x20b: {  	v12 =	vadd.f32 v12, v13;
	_ =	sdelay $0x1  }
0x20c: {  	v12 =	vadd.f32 v14, v12;
	_ =	sdelay $0x1  }
0x20d: {  	v12 =	vmax.f32 v12, $-3.500000000e+01  }
0x20e: {  	v12 =	vmin.f32 v12, $3.500000000e+01  }
0x20f: {  	v12 =	vsub.f32 $0.0e+00, v12;
	v60 =	vpop (erf)  }
0x210: {  	v13 =	vadd.f32 $1.000000000e+00, v60  }
0x211: {  	v12 =	vmul.f32 $1.442695020e+00, v12  }
0x212: {  	(erf) = vrcp.f32 v13  }
0x213: {  	(erf) = vpow2.f32 v12;
	_ =	sdelay $0x2  }
0x214: {  	v10 =	vadd.f32 v11, v10;
	_ =	sdelay $0x1  }
0x215: {  	v10 =	vadd.f32 v14, v10;
	_ =	sdelay $0x1  }
0x216: {  	v10 =	vmax.f32 v10, $-3.500000000e+01  }
0x217: {  	v10 =	vmin.f32 v10, $3.500000000e+01;
	v61 =	vpop (erf)  }
0x218: {  	v10 =	vsub.f32 $0.0e+00, v10;
	v12 =	vpop (erf)  }
0x219: {  	v12 =	vadd.f32 $1.000000000e+00, v12  }
0x21a: {  	v10 =	vmul.f32 $1.442695020e+00, v10  }
0x21b: {  	(erf) = vrcp.f32 v12  }
0x21c: {  	(erf) = vpow2.f32 v10;
	_ =	sdelay $0x2  }
0x21d: {  	v8 =	vadd.f32 v8, v9;
	_ =	sdelay $0x1  }
0x21e: {  	v8 =	vadd.f32 v14, v8;
	_ =	sdelay $0x1  }
0x21f: {  	v8 =	vmax.f32 v8, $-3.500000000e+01  }
0x220: {  	v8 =	vmin.f32 v8, $3.500000000e+01;
	v62 =	vpop (erf)  }
0x221: {  	v8 =	vsub.f32 $0.0e+00, v8;
	v10 =	vpop (erf)  }
0x222: {  	v10 =	vadd.f32 $1.000000000e+00, v10  }
0x223: {  	v8 =	vmul.f32 $1.442695020e+00, v8  }
0x224: {  	(erf) = vrcp.f32 v10  }
0x225: {  	(erf) = vpow2.f32 v8;
	_ =	sdelay $0x7  }
0x226: {  	v8 =	vpop (erf)  }
0x227: {  	v63 =	vpop (erf)  }
0x228: {  	v10 =	vadd.f32 $1.000000000e+00, v63;
	_ =	sdelay $0x1  }
0x229: {  	(erf) = vrcp.f32 v10;
	_ =	sdelay $0x6  }
0x22a: {  	[tilespmem:$0x65C0] =	vst v61  }
0x22b: {  	s31 =	sadd.s32 $0x1, s31;
	[tilespmem:$0x65D0] =	vst v62  }
0x22c: {  	p1 =	sne.s32 s31, s7;
	[tilespmem:$0x65E0] =	vst v8;
	v8 =	vpop (erf)  }
.Ltmp8:
0x22d: {  	[tilespmem:$0x65F0] =	vst v8;
	(pc) =	sbr.rel @p1 .LBB2_1-.Ltmp8, $4  }
0x22e: {  	[hbm4b:s6+s4] =	stream.linear.scatter [tilespmem:s30], [sflag:$0x8], $0x200, $0x38;
	[tilespmem:$0x15AA8] =	vst v63  }
0x22f: {  	_ =	swait.ge [sflag:s10], $0x200  }
0x230: {  	[sflag:s10] =	ssyncset.done $0x0  }
0x231: {  	[sflag:s10] =	ssyncadd.s32 $0xFFFFFE00  }
0x232: {  	_ =	sfence.sel $0x180000  }
0x233: {  	[bflag:$0x0] =	sbarrier.arrive $0xFFFF  }
0x234: {  	_ =	strace $0x90000047  }
0x235: {  	[bflag:$0x2] =	sbarrier.arrive $0xFFFF  }
0x236: {  	s0 =	rddreg [dreg:$0x5]  }
0x237: {  	s0 =	sadd.s32 @!p0 $0x100000, s0  }
0x238: {  	[sflag:s0] =	ssyncadd.tile.s32 @!p0 $0x1;
	_ =	shalt  }
.Lfunc_end2:
_tile_overlayer_lowered:
.L_overlay_start_2:
0x239: {  	(tag) =	ssettag $0x2  }
0x23a: {  	s0 =	rddreg [dreg:$0x0];
	s2 =	stileid.u32  }
0x23b: {  	s1 =	rddreg [dreg:$0x1];
	p0 =	sne.s32 s2, $0x0  }
0x23c: {  	s3 =	rddreg [dreg:$0x2];
	[bflag:$0x3] =	sbarrier.arrive $0xFFFF;
	s2 =	simm.s32 @!p0 $0x1C08  }
0x23d: {  	[timem:s3], [sflag:s2] =	dma.local @!p0 [hbm:s0], s1  }
0x23e: {  	s0 =	simm.s32 @!p0 $0x8  }
0x23f: {  	_ =	swait.ge @!p0 [sflag:s0], s1  }
0x240: {  	s1 =	ssub.s32 @!p0 $0x0, s1;
	[sflag:s0] =	ssyncset.done @!p0 $0x0  }
0x241: {  	[sflag:s0] =	ssyncadd.s32 @!p0 s1  }
0x242: {  	[bflag:$0x3] =	sbarrier.arrive $0xFFFF  }
0x243: {  	_ =	shalt  }

</sc_bundles>
